<compile_context>
chip_gen: v7x
topology: tpu7x:2x2x1
jax: 0.10.2.dev20260603
libtpu: 0.0.44.dev20260713+nightly
codegen_flags: <defaults>
</compile_context>

<pallas_src>
import functools

import jax
import jax.numpy as jnp
from jax import lax
from jax.experimental import pallas as pl
from jax.experimental.pallas import tpu as pltpu
from jax.experimental.pallas import tpu_sc as plsc

NUM_DATASETS = 1000
PROMPT_LEN = 20
HIDDEN = 2048
BATCH = 1024

_info = plsc.get_sparse_core_info()
NC, NS, L = _info.num_cores, _info.num_subcores, _info.num_lanes
NW = NC * NS

B_PER_W = BATCH // NW


@functools.partial(
    pl.kernel,
    out_type=jax.ShapeDtypeStruct((PROMPT_LEN, BATCH, HIDDEN), jnp.float32),
    mesh=plsc.VectorSubcoreMesh(core_axis_name="c", subcore_axis_name="s"),
    compiler_params=pltpu.CompilerParams(use_tc_tiling_on_sc=True),
    scratch_types=[
        pltpu.SMEM((B_PER_W,), jnp.int32),
        pltpu.VMEM((B_PER_W,), jnp.int32),
        pltpu.VMEM_SHARED((NS, B_PER_W), jnp.int32),
        pltpu.VMEM((PROMPT_LEN, HIDDEN), jnp.float32),
        pltpu.VMEM((PROMPT_LEN, HIDDEN), jnp.float32),
        pltpu.SemaphoreType.DMA,
        pltpu.SemaphoreType.DMA,
        pltpu.SemaphoreType.DMA,
        pltpu.SemaphoreType.DMA,
    ],
)
def _gather_kernel(ds_hbm, tab_hbm, out_hbm, ids_s, ids_v, ids_sh,
                   buf0, buf1, g0, g1, w0, w1):
    wid = lax.axis_index("s") * NC + lax.axis_index("c")
    b0 = wid * B_PER_W
    sid = lax.axis_index("s")
    pltpu.sync_copy(ds_hbm.at[pl.ds(b0, B_PER_W)], ids_v)
    pltpu.sync_copy(ids_v, ids_sh.at[sid])
    pltpu.sync_copy(ids_sh.at[sid], ids_s)

    bufs = (buf0, buf1)
    gsems = (g0, g1)
    wsems = (w0, w1)

    H2 = HIDDEN // 2

    def g_issue(t, slot):
        for m in range(2):
            pltpu.async_copy(
                tab_hbm.at[pl.ds(0, PROMPT_LEN), ids_s[t], pl.ds(m * H2, H2)],
                bufs[slot].at[:, pl.ds(m * H2, H2)], gsems[slot])

    def w_issue(t, slot):
        for m in range(2):
            pltpu.async_copy(
                bufs[slot].at[:, pl.ds(m * H2, H2)],
                out_hbm.at[pl.ds(0, PROMPT_LEN), b0 + t, pl.ds(m * H2, H2)],
                wsems[slot])

    def g_wait(slot):
        pltpu.make_async_copy(tab_hbm.at[pl.ds(0, PROMPT_LEN), 0],
                              bufs[slot], gsems[slot]).wait()

    def w_wait(slot):
        pltpu.make_async_copy(bufs[slot], out_hbm.at[pl.ds(0, PROMPT_LEN), 0],
                              wsems[slot]).wait()

    g_issue(0, 0)
    g_wait(0)
    w_issue(0, 0)
    g_issue(1, 1)

    def step(t, carry):
        s = lax.rem(t, 2)

        @pl.when(s == 0)
        def _():
            g_wait(0)
            w_issue(t, 0)
            w_wait(1)
            g_issue(t + 1, 1)

        @pl.when(s == 1)
        def _():
            g_wait(1)
            w_issue(t, 1)
            w_wait(0)
            g_issue(t + 1, 0)

        return carry

    lax.fori_loop(1, B_PER_W - 1, step, 0)

    g_wait(1)
    w_issue(B_PER_W - 1, 1)
    w_wait(0)
    w_wait(1)


def kernel(ds_ids, prompts):
    tab_t = prompts.transpose(1, 0, 2)
    out_t = _gather_kernel(ds_ids.astype(jnp.int32), tab_t)
    return out_t.transpose(1, 0, 2)

# --- scband reference (transcript-rebuilt; emitter-appended) ---
"""Pipeline reference for scband-prompt-bank-49091476193749 (READ-ONLY COPY).

The authoritative reference and input builder live on the scoring server;
editing this copy changes nothing except your own understanding.
"""

import jax, jax.numpy as jnp
import numpy as np

NUM_DATASETS = 1000
PROMPT_LEN = 20
HIDDEN_SIZE = 2048
BATCH = 1024


def setup_inputs(seed: int = 0) -> dict:
    key = jax.random.key(seed)
    k1, k2 = jax.random.split(key)
    ds_ids = jax.random.randint(k1, (BATCH,), 0, NUM_DATASETS, dtype=jnp.int64 if jax.config.read('jax_enable_x64') else jnp.int32)
    prompts = jax.random.normal(k2, (NUM_DATASETS, PROMPT_LEN, HIDDEN_SIZE), dtype=jnp.float32) * 0.02
    return {"ds_ids": ds_ids, "prompts": prompts}


def reference(ds_ids, prompts):
    # PromptBank.get_batch: prompts[ds_ids] -> [B, prompt_len, hidden_size]
    return jnp.take(prompts, ds_ids, axis=0)

if __name__ == "__main__":
    import jax
    _d = setup_inputs()
    print(jax.jit(kernel)(*tuple(_d.values())))

</pallas_src>

<mosaic_0001>
#map = affine_map<(d0, d1) -> (0)>
#map1 = affine_map<(d0, d1) -> (0, 0, 0)>
module attributes {stable_mosaic.version = 14 : i64} {
  func.func @_gather_kernel(%arg0: i32, %arg1: i32, %arg2: memref<1024xi32, #tpu.memory_space<hbm>>, %arg3: memref<20x1000x2048xf32, #tpu.memory_space<hbm>>, %arg4: memref<20x1024x2048xf32, #tpu.memory_space<hbm>>, %arg5: memref<32xi32, #tpu.memory_space<smem>>, %arg6: memref<32xi32, #tpu.memory_space<vmem>>, %arg7: memref<16x32xi32, #tpu.memory_space<vmem_shared>>, %arg8: memref<20x2048xf32, #tpu.memory_space<vmem>>, %arg9: memref<20x2048xf32, #tpu.memory_space<vmem>>, %arg10: memref<!tpu.dma_semaphore, #tpu.memory_space<semaphore_mem>>, %arg11: memref<!tpu.dma_semaphore, #tpu.memory_space<semaphore_mem>>, %arg12: memref<!tpu.dma_semaphore, #tpu.memory_space<semaphore_mem>>, %arg13: memref<!tpu.dma_semaphore, #tpu.memory_space<semaphore_mem>>) attributes {dimension_semantics = [#tpu.dimension_semantics<core_parallel>, #tpu.dimension_semantics<subcore_parallel>], iteration_bounds = array<i64: 2, 16>, scalar_prefetch = 0 : i64, scratch_operands = 9 : i64, tpu.core_type = #tpu.core_type<sc_vector_subcore>, window_params = [{transform_indices = #map}, {transform_indices = #map1}, {transform_indices = #map1}]} {
    %mul3A = arith.constant 2 : i32
    %mul3A_0 = arith.muli %arg1, %mul3A : i32
    %add3A = arith.addi %mul3A_0, %arg0 : i32
    %mul3A_1 = arith.constant 32 : i32
    %mul3A_2 = arith.muli %add3A, %mul3A_1 : i32
    "tpu.region"() ({
      %run_scoped3A = tpu.sem_alloc : memref<!tpu.dma_semaphore, #tpu.memory_space<semaphore_mem>>
      %dma_start3A_173 = tpu.memref_slice %arg2[%mul3A_2] : memref<1024xi32, #tpu.memory_space<hbm>> -> memref<32xi32, #tpu.memory_space<hbm>>
      %dma_start3A_174 = tpu.memref_slice %arg2[%mul3A_2] : memref<1024xi32, #tpu.memory_space<hbm>> -> memref<32xi32, #tpu.memory_space<hbm>>
      tpu.enqueue_dma source(%dma_start3A_174 : memref<32xi32, #tpu.memory_space<hbm>>) target(%arg6 : memref<32xi32, #tpu.memory_space<vmem>>) target_semaphore(%run_scoped3A : memref<!tpu.dma_semaphore, #tpu.memory_space<semaphore_mem>>)
      %dma_wait3A_175 = tpu.memref_slice %arg2[%mul3A_2] : memref<1024xi32, #tpu.memory_space<hbm>> -> memref<32xi32, #tpu.memory_space<hbm>>
      %dma_wait3A_176 = tpu.memref_slice %arg2[%mul3A_2] : memref<1024xi32, #tpu.memory_space<hbm>> -> memref<32xi32, #tpu.memory_space<hbm>>
      tpu.wait_dma2 semaphore(%run_scoped3A : memref<!tpu.dma_semaphore, #tpu.memory_space<semaphore_mem>>) src(%dma_wait3A_176 : memref<32xi32, #tpu.memory_space<hbm>>) dst(%arg6 : memref<32xi32, #tpu.memory_space<vmem>>)
      tpu.yield
    }) : () -> ()
    "tpu.region"() ({
      %run_scoped3A = tpu.sem_alloc : memref<!tpu.dma_semaphore, #tpu.memory_space<semaphore_mem>>
      %dma_start3A_173 = arith.constant 0 : i32
      %dma_start3A_174 = tpu.memref_slice %arg7[%arg1, %dma_start3A_173] : memref<16x32xi32, #tpu.memory_space<vmem_shared>> -> memref<1x32xi32, #tpu.memory_space<vmem_shared>>
      %dma_start3A_175 = tpu.memref_squeeze %dma_start3A_174 : memref<1x32xi32, #tpu.memory_space<vmem_shared>> -> memref<32xi32, #tpu.memory_space<vmem_shared>>
      %dma_start3A_176 = arith.constant 0 : i32
      %dma_start3A_177 = tpu.memref_slice %arg7[%arg1, %dma_start3A_176] : memref<16x32xi32, #tpu.memory_space<vmem_shared>> -> memref<1x32xi32, #tpu.memory_space<vmem_shared>>
      %dma_start3A_178 = tpu.memref_squeeze %dma_start3A_177 : memref<1x32xi32, #tpu.memory_space<vmem_shared>> -> memref<32xi32, #tpu.memory_space<vmem_shared>>
      tpu.enqueue_dma source(%arg6 : memref<32xi32, #tpu.memory_space<vmem>>) target(%dma_start3A_178 : memref<32xi32, #tpu.memory_space<vmem_shared>>) target_semaphore(%run_scoped3A : memref<!tpu.dma_semaphore, #tpu.memory_space<semaphore_mem>>)
      %dma_wait3A_179 = arith.constant 0 : i32
      %dma_wait3A_180 = tpu.memref_slice %arg7[%arg1, %dma_wait3A_179] : memref<16x32xi32, #tpu.memory_space<vmem_shared>> -> memref<1x32xi32, #tpu.memory_space<vmem_shared>>
      %dma_wait3A_181 = tpu.memref_squeeze %dma_wait3A_180 : memref<1x32xi32, #tpu.memory_space<vmem_shared>> -> memref<32xi32, #tpu.memory_space<vmem_shared>>
      %dma_wait3A_182 = arith.constant 0 : i32
      %dma_wait3A_183 = tpu.memref_slice %arg7[%arg1, %dma_wait3A_182] : memref<16x32xi32, #tpu.memory_space<vmem_shared>> -> memref<1x32xi32, #tpu.memory_space<vmem_shared>>
      %dma_wait3A_184 = tpu.memref_squeeze %dma_wait3A_183 : memref<1x32xi32, #tpu.memory_space<vmem_shared>> -> memref<32xi32, #tpu.memory_space<vmem_shared>>
      tpu.wait_dma2 semaphore(%run_scoped3A : memref<!tpu.dma_semaphore, #tpu.memory_space<semaphore_mem>>) src(%arg6 : memref<32xi32, #tpu.memory_space<vmem>>) dst(%dma_wait3A_184 : memref<32xi32, #tpu.memory_space<vmem_shared>>)
      tpu.yield
    }) : () -> ()
    "tpu.region"() ({
      %run_scoped3A = tpu.sem_alloc : memref<!tpu.dma_semaphore, #tpu.memory_space<semaphore_mem>>
      %dma_start3A_173 = arith.constant 0 : i32
      %dma_start3A_174 = tpu.memref_slice %arg7[%arg1, %dma_start3A_173] : memref<16x32xi32, #tpu.memory_space<vmem_shared>> -> memref<1x32xi32, #tpu.memory_space<vmem_shared>>
      %dma_start3A_175 = tpu.memref_squeeze %dma_start3A_174 : memref<1x32xi32, #tpu.memory_space<vmem_shared>> -> memref<32xi32, #tpu.memory_space<vmem_shared>>
      tpu.enqueue_dma source(%dma_start3A_175 : memref<32xi32, #tpu.memory_space<vmem_shared>>) target(%arg5 : memref<32xi32, #tpu.memory_space<smem>>) target_semaphore(%run_scoped3A : memref<!tpu.dma_semaphore, #tpu.memory_space<semaphore_mem>>)
      %dma_wait3A_176 = arith.constant 0 : i32
      %dma_wait3A_177 = tpu.memref_slice %arg7[%arg1, %dma_wait3A_176] : memref<16x32xi32, #tpu.memory_space<vmem_shared>> -> memref<1x32xi32, #tpu.memory_space<vmem_shared>>
      %dma_wait3A_178 = tpu.memref_squeeze %dma_wait3A_177 : memref<1x32xi32, #tpu.memory_space<vmem_shared>> -> memref<32xi32, #tpu.memory_space<vmem_shared>>
      tpu.wait_dma2 semaphore(%run_scoped3A : memref<!tpu.dma_semaphore, #tpu.memory_space<semaphore_mem>>) src(%dma_wait3A_178 : memref<32xi32, #tpu.memory_space<vmem_shared>>) dst(%arg5 : memref<32xi32, #tpu.memory_space<smem>>)
      tpu.yield
    }) : () -> ()
    %get3A = arith.constant 0 : i32
    %get3A_3 = arith.index_cast %get3A : i32 to index
    %get3A_4 = memref.load %arg5[%get3A_3] : memref<32xi32, #tpu.memory_space<smem>>
    %dma_start3A = arith.constant 0 : i32
    %dma_start3A_5 = arith.constant 0 : i32
    %dma_start3A_6 = tpu.memref_slice %arg8[%dma_start3A, %dma_start3A_5] : memref<20x2048xf32, #tpu.memory_space<vmem>> -> memref<20x1024xf32, #tpu.memory_space<vmem>>
    %dma_start3A_7 = arith.constant 0 : i32
    %dma_start3A_8 = arith.constant 0 : i32
    %dma_start3A_9 = tpu.memref_slice %arg3[%dma_start3A_7, %get3A_4, %dma_start3A_8] : memref<20x1000x2048xf32, #tpu.memory_space<hbm>> -> memref<20x1x1024xf32, #tpu.memory_space<hbm>>
    %dma_start3A_10 = tpu.memref_squeeze %dma_start3A_9 : memref<20x1x1024xf32, #tpu.memory_space<hbm>> -> memref<20x1024xf32, #tpu.memory_space<hbm>>
    %dma_start3A_11 = arith.constant 0 : i32
    %dma_start3A_12 = arith.constant 0 : i32
    %dma_start3A_13 = tpu.memref_slice %arg8[%dma_start3A_11, %dma_start3A_12] : memref<20x2048xf32, #tpu.memory_space<vmem>> -> memref<20x1024xf32, #tpu.memory_space<vmem>>
    %dma_start3A_14 = arith.constant 0 : i32
    %dma_start3A_15 = arith.constant 0 : i32
    %dma_start3A_16 = tpu.memref_slice %arg3[%dma_start3A_14, %get3A_4, %dma_start3A_15] : memref<20x1000x2048xf32, #tpu.memory_space<hbm>> -> memref<20x1x1024xf32, #tpu.memory_space<hbm>>
    %dma_start3A_17 = tpu.memref_squeeze %dma_start3A_16 : memref<20x1x1024xf32, #tpu.memory_space<hbm>> -> memref<20x1024xf32, #tpu.memory_space<hbm>>
    tpu.enqueue_dma source(%dma_start3A_17 : memref<20x1024xf32, #tpu.memory_space<hbm>>) target(%dma_start3A_13 : memref<20x1024xf32, #tpu.memory_space<vmem>>) target_semaphore(%arg10 : memref<!tpu.dma_semaphore, #tpu.memory_space<semaphore_mem>>)
    %get3A_18 = arith.constant 0 : i32
    %get3A_19 = arith.index_cast %get3A_18 : i32 to index
    %get3A_20 = memref.load %arg5[%get3A_19] : memref<32xi32, #tpu.memory_space<smem>>
    %dma_start3A_21 = arith.constant 0 : i32
    %dma_start3A_22 = arith.constant 1024 : i32
    %dma_start3A_23 = tpu.memref_slice %arg8[%dma_start3A_21, %dma_start3A_22] : memref<20x2048xf32, #tpu.memory_space<vmem>> -> memref<20x1024xf32, #tpu.memory_space<vmem>>
    %dma_start3A_24 = arith.constant 0 : i32
    %dma_start3A_25 = arith.constant 1024 : i32
    %dma_start3A_26 = tpu.memref_slice %arg3[%dma_start3A_24, %get3A_20, %dma_start3A_25] : memref<20x1000x2048xf32, #tpu.memory_space<hbm>> -> memref<20x1x1024xf32, #tpu.memory_space<hbm>>
    %dma_start3A_27 = tpu.memref_squeeze %dma_start3A_26 : memref<20x1x1024xf32, #tpu.memory_space<hbm>> -> memref<20x1024xf32, #tpu.memory_space<hbm>>
    %dma_start3A_28 = arith.constant 0 : i32
    %dma_start3A_29 = arith.constant 1024 : i32
    %dma_start3A_30 = tpu.memref_slice %arg8[%dma_start3A_28, %dma_start3A_29] : memref<20x2048xf32, #tpu.memory_space<vmem>> -> memref<20x1024xf32, #tpu.memory_space<vmem>>
    %dma_start3A_31 = arith.constant 0 : i32
    %dma_start3A_32 = arith.constant 1024 : i32
    %dma_start3A_33 = tpu.memref_slice %arg3[%dma_start3A_31, %get3A_20, %dma_start3A_32] : memref<20x1000x2048xf32, #tpu.memory_space<hbm>> -> memref<20x1x1024xf32, #tpu.memory_space<hbm>>
    %dma_start3A_34 = tpu.memref_squeeze %dma_start3A_33 : memref<20x1x1024xf32, #tpu.memory_space<hbm>> -> memref<20x1024xf32, #tpu.memory_space<hbm>>
    tpu.enqueue_dma source(%dma_start3A_34 : memref<20x1024xf32, #tpu.memory_space<hbm>>) target(%dma_start3A_30 : memref<20x1024xf32, #tpu.memory_space<vmem>>) target_semaphore(%arg10 : memref<!tpu.dma_semaphore, #tpu.memory_space<semaphore_mem>>)
    %dma_wait3A = arith.constant 0 : i32
    %dma_wait3A_35 = arith.constant 0 : i32
    %dma_wait3A_36 = arith.constant 0 : i32
    %dma_wait3A_37 = tpu.memref_slice %arg3[%dma_wait3A_35, %dma_wait3A, %dma_wait3A_36] : memref<20x1000x2048xf32, #tpu.memory_space<hbm>> -> memref<20x1x2048xf32, #tpu.memory_space<hbm>>
    %dma_wait3A_38 = tpu.memref_squeeze %dma_wait3A_37 : memref<20x1x2048xf32, #tpu.memory_space<hbm>> -> memref<20x2048xf32, #tpu.memory_space<hbm>>
    %dma_wait3A_39 = arith.constant 0 : i32
    %dma_wait3A_40 = arith.constant 0 : i32
    %dma_wait3A_41 = tpu.memref_slice %arg3[%dma_wait3A_39, %dma_wait3A, %dma_wait3A_40] : memref<20x1000x2048xf32, #tpu.memory_space<hbm>> -> memref<20x1x2048xf32, #tpu.memory_space<hbm>>
    %dma_wait3A_42 = tpu.memref_squeeze %dma_wait3A_41 : memref<20x1x2048xf32, #tpu.memory_space<hbm>> -> memref<20x2048xf32, #tpu.memory_space<hbm>>
    tpu.wait_dma2 semaphore(%arg10 : memref<!tpu.dma_semaphore, #tpu.memory_space<semaphore_mem>>) src(%dma_wait3A_42 : memref<20x2048xf32, #tpu.memory_space<hbm>>) dst(%arg8 : memref<20x2048xf32, #tpu.memory_space<vmem>>)
    %add3A_43 = arith.constant 0 : i32
    %add3A_44 = arith.addi %mul3A_2, %add3A_43 : i32
    %dma_start3A_45 = arith.constant 0 : i32
    %dma_start3A_46 = arith.constant 0 : i32
    %dma_start3A_47 = tpu.memref_slice %arg8[%dma_start3A_45, %dma_start3A_46] : memref<20x2048xf32, #tpu.memory_space<vmem>> -> memref<20x1024xf32, #tpu.memory_space<vmem>>
    %dma_start3A_48 = arith.constant 0 : i32
    %dma_start3A_49 = arith.constant 0 : i32
    %dma_start3A_50 = tpu.memref_slice %arg4[%dma_start3A_48, %add3A_44, %dma_start3A_49] : memref<20x1024x2048xf32, #tpu.memory_space<hbm>> -> memref<20x1x1024xf32, #tpu.memory_space<hbm>>
    %dma_start3A_51 = tpu.memref_squeeze %dma_start3A_50 : memref<20x1x1024xf32, #tpu.memory_space<hbm>> -> memref<20x1024xf32, #tpu.memory_space<hbm>>
    %dma_start3A_52 = arith.constant 0 : i32
    %dma_start3A_53 = arith.constant 0 : i32
    %dma_start3A_54 = tpu.memref_slice %arg4[%dma_start3A_52, %add3A_44, %dma_start3A_53] : memref<20x1024x2048xf32, #tpu.memory_space<hbm>> -> memref<20x1x1024xf32, #tpu.memory_space<hbm>>
    %dma_start3A_55 = tpu.memref_squeeze %dma_start3A_54 : memref<20x1x1024xf32, #tpu.memory_space<hbm>> -> memref<20x1024xf32, #tpu.memory_space<hbm>>
    %dma_start3A_56 = arith.constant 0 : i32
    %dma_start3A_57 = arith.constant 0 : i32
    %dma_start3A_58 = tpu.memref_slice %arg8[%dma_start3A_56, %dma_start3A_57] : memref<20x2048xf32, #tpu.memory_space<vmem>> -> memref<20x1024xf32, #tpu.memory_space<vmem>>
    tpu.enqueue_dma source(%dma_start3A_58 : memref<20x1024xf32, #tpu.memory_space<vmem>>) target(%dma_start3A_55 : memref<20x1024xf32, #tpu.memory_space<hbm>>) target_semaphore(%arg12 : memref<!tpu.dma_semaphore, #tpu.memory_space<semaphore_mem>>)
    %add3A_59 = arith.constant 0 : i32
    %add3A_60 = arith.addi %mul3A_2, %add3A_59 : i32
    %dma_start3A_61 = arith.constant 0 : i32
    %dma_start3A_62 = arith.constant 1024 : i32
    %dma_start3A_63 = tpu.memref_slice %arg8[%dma_start3A_61, %dma_start3A_62] : memref<20x2048xf32, #tpu.memory_space<vmem>> -> memref<20x1024xf32, #tpu.memory_space<vmem>>
    %dma_start3A_64 = arith.constant 0 : i32
    %dma_start3A_65 = arith.constant 1024 : i32
    %dma_start3A_66 = tpu.memref_slice %arg4[%dma_start3A_64, %add3A_60, %dma_start3A_65] : memref<20x1024x2048xf32, #tpu.memory_space<hbm>> -> memref<20x1x1024xf32, #tpu.memory_space<hbm>>
    %dma_start3A_67 = tpu.memref_squeeze %dma_start3A_66 : memref<20x1x1024xf32, #tpu.memory_space<hbm>> -> memref<20x1024xf32, #tpu.memory_space<hbm>>
    %dma_start3A_68 = arith.constant 0 : i32
    %dma_start3A_69 = arith.constant 1024 : i32
    %dma_start3A_70 = tpu.memref_slice %arg4[%dma_start3A_68, %add3A_60, %dma_start3A_69] : memref<20x1024x2048xf32, #tpu.memory_space<hbm>> -> memref<20x1x1024xf32, #tpu.memory_space<hbm>>
    %dma_start3A_71 = tpu.memref_squeeze %dma_start3A_70 : memref<20x1x1024xf32, #tpu.memory_space<hbm>> -> memref<20x1024xf32, #tpu.memory_space<hbm>>
    %dma_start3A_72 = arith.constant 0 : i32
    %dma_start3A_73 = arith.constant 1024 : i32
    %dma_start3A_74 = tpu.memref_slice %arg8[%dma_start3A_72, %dma_start3A_73] : memref<20x2048xf32, #tpu.memory_space<vmem>> -> memref<20x1024xf32, #tpu.memory_space<vmem>>
    tpu.enqueue_dma source(%dma_start3A_74 : memref<20x1024xf32, #tpu.memory_space<vmem>>) target(%dma_start3A_71 : memref<20x1024xf32, #tpu.memory_space<hbm>>) target_semaphore(%arg12 : memref<!tpu.dma_semaphore, #tpu.memory_space<semaphore_mem>>)
    %get3A_75 = arith.constant 1 : i32
    %get3A_76 = arith.index_cast %get3A_75 : i32 to index
    %get3A_77 = memref.load %arg5[%get3A_76] : memref<32xi32, #tpu.memory_space<smem>>
    %dma_start3A_78 = arith.constant 0 : i32
    %dma_start3A_79 = arith.constant 0 : i32
    %dma_start3A_80 = tpu.memref_slice %arg9[%dma_start3A_78, %dma_start3A_79] : memref<20x2048xf32, #tpu.memory_space<vmem>> -> memref<20x1024xf32, #tpu.memory_space<vmem>>
    %dma_start3A_81 = arith.constant 0 : i32
    %dma_start3A_82 = arith.constant 0 : i32
    %dma_start3A_83 = tpu.memref_slice %arg3[%dma_start3A_81, %get3A_77, %dma_start3A_82] : memref<20x1000x2048xf32, #tpu.memory_space<hbm>> -> memref<20x1x1024xf32, #tpu.memory_space<hbm>>
    %dma_start3A_84 = tpu.memref_squeeze %dma_start3A_83 : memref<20x1x1024xf32, #tpu.memory_space<hbm>> -> memref<20x1024xf32, #tpu.memory_space<hbm>>
    %dma_start3A_85 = arith.constant 0 : i32
    %dma_start3A_86 = arith.constant 0 : i32
    %dma_start3A_87 = tpu.memref_slice %arg9[%dma_start3A_85, %dma_start3A_86] : memref<20x2048xf32, #tpu.memory_space<vmem>> -> memref<20x1024xf32, #tpu.memory_space<vmem>>
    %dma_start3A_88 = arith.constant 0 : i32
    %dma_start3A_89 = arith.constant 0 : i32
    %dma_start3A_90 = tpu.memref_slice %arg3[%dma_start3A_88, %get3A_77, %dma_start3A_89] : memref<20x1000x2048xf32, #tpu.memory_space<hbm>> -> memref<20x1x1024xf32, #tpu.memory_space<hbm>>
    %dma_start3A_91 = tpu.memref_squeeze %dma_start3A_90 : memref<20x1x1024xf32, #tpu.memory_space<hbm>> -> memref<20x1024xf32, #tpu.memory_space<hbm>>
    tpu.enqueue_dma source(%dma_start3A_91 : memref<20x1024xf32, #tpu.memory_space<hbm>>) target(%dma_start3A_87 : memref<20x1024xf32, #tpu.memory_space<vmem>>) target_semaphore(%arg11 : memref<!tpu.dma_semaphore, #tpu.memory_space<semaphore_mem>>)
    %get3A_92 = arith.constant 1 : i32
    %get3A_93 = arith.index_cast %get3A_92 : i32 to index
    %get3A_94 = memref.load %arg5[%get3A_93] : memref<32xi32, #tpu.memory_space<smem>>
    %dma_start3A_95 = arith.constant 0 : i32
    %dma_start3A_96 = arith.constant 1024 : i32
    %dma_start3A_97 = tpu.memref_slice %arg9[%dma_start3A_95, %dma_start3A_96] : memref<20x2048xf32, #tpu.memory_space<vmem>> -> memref<20x1024xf32, #tpu.memory_space<vmem>>
    %dma_start3A_98 = arith.constant 0 : i32
    %dma_start3A_99 = arith.constant 1024 : i32
    %dma_start3A_100 = tpu.memref_slice %arg3[%dma_start3A_98, %get3A_94, %dma_start3A_99] : memref<20x1000x2048xf32, #tpu.memory_space<hbm>> -> memref<20x1x1024xf32, #tpu.memory_space<hbm>>
    %dma_start3A_101 = tpu.memref_squeeze %dma_start3A_100 : memref<20x1x1024xf32, #tpu.memory_space<hbm>> -> memref<20x1024xf32, #tpu.memory_space<hbm>>
    %dma_start3A_102 = arith.constant 0 : i32
    %dma_start3A_103 = arith.constant 1024 : i32
    %dma_start3A_104 = tpu.memref_slice %arg9[%dma_start3A_102, %dma_start3A_103] : memref<20x2048xf32, #tpu.memory_space<vmem>> -> memref<20x1024xf32, #tpu.memory_space<vmem>>
    %dma_start3A_105 = arith.constant 0 : i32
    %dma_start3A_106 = arith.constant 1024 : i32
    %dma_start3A_107 = tpu.memref_slice %arg3[%dma_start3A_105, %get3A_94, %dma_start3A_106] : memref<20x1000x2048xf32, #tpu.memory_space<hbm>> -> memref<20x1x1024xf32, #tpu.memory_space<hbm>>
    %dma_start3A_108 = tpu.memref_squeeze %dma_start3A_107 : memref<20x1x1024xf32, #tpu.memory_space<hbm>> -> memref<20x1024xf32, #tpu.memory_space<hbm>>
    tpu.enqueue_dma source(%dma_start3A_108 : memref<20x1024xf32, #tpu.memory_space<hbm>>) target(%dma_start3A_104 : memref<20x1024xf32, #tpu.memory_space<vmem>>) target_semaphore(%arg11 : memref<!tpu.dma_semaphore, #tpu.memory_space<semaphore_mem>>)
    %scan3A = arith.constant 0 : i32
    %scan3A_109 = arith.constant 1 : i32
    %scan3A_110 = arith.constant 30 : i32
    %scan3A_111 = arith.addi %scan3A_109, %scan3A_110 : i32
    %scan3A_112 = arith.constant 1 : i32
    scf.for %scan3A_173 = %scan3A_109 to %scan3A_111 step %scan3A_112  : i32 {
      %rem3A = arith.constant 2 : i32
      %rem3A_174 = arith.remsi %scan3A_173, %rem3A : i32
      %eq3A = arith.constant 0 : i32
      %eq3A_175 = arith.cmpi eq, %rem3A_174, %eq3A : i32
      %convert_element_type3A = arith.extui %eq3A_175 : i1 to i32
      %cond3A = arith.constant 0 : i32
      %cond3A_176 = arith.cmpi ne, %convert_element_type3A, %cond3A : i32
      scf.if %cond3A_176 {
        %dma_wait3A_182 = arith.constant 0 : i32
        %dma_wait3A_183 = arith.constant 0 : i32
        %dma_wait3A_184 = arith.constant 0 : i32
        %dma_wait3A_185 = tpu.memref_slice %arg3[%dma_wait3A_183, %dma_wait3A_182, %dma_wait3A_184] : memref<20x1000x2048xf32, #tpu.memory_space<hbm>> -> memref<20x1x2048xf32, #tpu.memory_space<hbm>>
        %dma_wait3A_186 = tpu.memref_squeeze %dma_wait3A_185 : memref<20x1x2048xf32, #tpu.memory_space<hbm>> -> memref<20x2048xf32, #tpu.memory_space<hbm>>
        %dma_wait3A_187 = arith.constant 0 : i32
        %dma_wait3A_188 = arith.constant 0 : i32
        %dma_wait3A_189 = tpu.memref_slice %arg3[%dma_wait3A_187, %dma_wait3A_182, %dma_wait3A_188] : memref<20x1000x2048xf32, #tpu.memory_space<hbm>> -> memref<20x1x2048xf32, #tpu.memory_space<hbm>>
        %dma_wait3A_190 = tpu.memref_squeeze %dma_wait3A_189 : memref<20x1x2048xf32, #tpu.memory_space<hbm>> -> memref<20x2048xf32, #tpu.memory_space<hbm>>
        tpu.wait_dma2 semaphore(%arg10 : memref<!tpu.dma_semaphore, #tpu.memory_space<semaphore_mem>>) src(%dma_wait3A_190 : memref<20x2048xf32, #tpu.memory_space<hbm>>) dst(%arg8 : memref<20x2048xf32, #tpu.memory_space<vmem>>)
        %add3A_191 = arith.addi %mul3A_2, %scan3A_173 : i32
        %dma_start3A_192 = arith.constant 0 : i32
        %dma_start3A_193 = arith.constant 0 : i32
        %dma_start3A_194 = tpu.memref_slice %arg8[%dma_start3A_192, %dma_start3A_193] : memref<20x2048xf32, #tpu.memory_space<vmem>> -> memref<20x1024xf32, #tpu.memory_space<vmem>>
        %dma_start3A_195 = arith.constant 0 : i32
        %dma_start3A_196 = arith.constant 0 : i32
        %dma_start3A_197 = tpu.memref_slice %arg4[%dma_start3A_195, %add3A_191, %dma_start3A_196] : memref<20x1024x2048xf32, #tpu.memory_space<hbm>> -> memref<20x1x1024xf32, #tpu.memory_space<hbm>>
        %dma_start3A_198 = tpu.memref_squeeze %dma_start3A_197 : memref<20x1x1024xf32, #tpu.memory_space<hbm>> -> memref<20x1024xf32, #tpu.memory_space<hbm>>
        %dma_start3A_199 = arith.constant 0 : i32
        %dma_start3A_200 = arith.constant 0 : i32
        %dma_start3A_201 = tpu.memref_slice %arg4[%dma_start3A_199, %add3A_191, %dma_start3A_200] : memref<20x1024x2048xf32, #tpu.memory_space<hbm>> -> memref<20x1x1024xf32, #tpu.memory_space<hbm>>
        %dma_start3A_202 = tpu.memref_squeeze %dma_start3A_201 : memref<20x1x1024xf32, #tpu.memory_space<hbm>> -> memref<20x1024xf32, #tpu.memory_space<hbm>>
        %dma_start3A_203 = arith.constant 0 : i32
        %dma_start3A_204 = arith.constant 0 : i32
        %dma_start3A_205 = tpu.memref_slice %arg8[%dma_start3A_203, %dma_start3A_204] : memref<20x2048xf32, #tpu.memory_space<vmem>> -> memref<20x1024xf32, #tpu.memory_space<vmem>>
        tpu.enqueue_dma source(%dma_start3A_205 : memref<20x1024xf32, #tpu.memory_space<vmem>>) target(%dma_start3A_202 : memref<20x1024xf32, #tpu.memory_space<hbm>>) target_semaphore(%arg12 : memref<!tpu.dma_semaphore, #tpu.memory_space<semaphore_mem>>)
        %add3A_206 = arith.addi %mul3A_2, %scan3A_173 : i32
        %dma_start3A_207 = arith.constant 0 : i32
        %dma_start3A_208 = arith.constant 1024 : i32
        %dma_start3A_209 = tpu.memref_slice %arg8[%dma_start3A_207, %dma_start3A_208] : memref<20x2048xf32, #tpu.memory_space<vmem>> -> memref<20x1024xf32, #tpu.memory_space<vmem>>
        %dma_start3A_210 = arith.constant 0 : i32
        %dma_start3A_211 = arith.constant 1024 : i32
        %dma_start3A_212 = tpu.memref_slice %arg4[%dma_start3A_210, %add3A_206, %dma_start3A_211] : memref<20x1024x2048xf32, #tpu.memory_space<hbm>> -> memref<20x1x1024xf32, #tpu.memory_space<hbm>>
        %dma_start3A_213 = tpu.memref_squeeze %dma_start3A_212 : memref<20x1x1024xf32, #tpu.memory_space<hbm>> -> memref<20x1024xf32, #tpu.memory_space<hbm>>
        %dma_start3A_214 = arith.constant 0 : i32
        %dma_start3A_215 = arith.constant 1024 : i32
        %dma_start3A_216 = tpu.memref_slice %arg4[%dma_start3A_214, %add3A_206, %dma_start3A_215] : memref<20x1024x2048xf32, #tpu.memory_space<hbm>> -> memref<20x1x1024xf32, #tpu.memory_space<hbm>>
        %dma_start3A_217 = tpu.memref_squeeze %dma_start3A_216 : memref<20x1x1024xf32, #tpu.memory_space<hbm>> -> memref<20x1024xf32, #tpu.memory_space<hbm>>
        %dma_start3A_218 = arith.constant 0 : i32
        %dma_start3A_219 = arith.constant 1024 : i32
        %dma_start3A_220 = tpu.memref_slice %arg8[%dma_start3A_218, %dma_start3A_219] : memref<20x2048xf32, #tpu.memory_space<vmem>> -> memref<20x1024xf32, #tpu.memory_space<vmem>>
        tpu.enqueue_dma source(%dma_start3A_220 : memref<20x1024xf32, #tpu.memory_space<vmem>>) target(%dma_start3A_217 : memref<20x1024xf32, #tpu.memory_space<hbm>>) target_semaphore(%arg12 : memref<!tpu.dma_semaphore, #tpu.memory_space<semaphore_mem>>)
        %dma_wait3A_221 = arith.constant 0 : i32
        %dma_wait3A_222 = arith.constant 0 : i32
        %dma_wait3A_223 = arith.constant 0 : i32
        %dma_wait3A_224 = tpu.memref_slice %arg4[%dma_wait3A_222, %dma_wait3A_221, %dma_wait3A_223] : memref<20x1024x2048xf32, #tpu.memory_space<hbm>> -> memref<20x1x2048xf32, #tpu.memory_space<hbm>>
        %dma_wait3A_225 = tpu.memref_squeeze %dma_wait3A_224 : memref<20x1x2048xf32, #tpu.memory_space<hbm>> -> memref<20x2048xf32, #tpu.memory_space<hbm>>
        %dma_wait3A_226 = arith.constant 0 : i32
        %dma_wait3A_227 = arith.constant 0 : i32
        %dma_wait3A_228 = tpu.memref_slice %arg4[%dma_wait3A_226, %dma_wait3A_221, %dma_wait3A_227] : memref<20x1024x2048xf32, #tpu.memory_space<hbm>> -> memref<20x1x2048xf32, #tpu.memory_space<hbm>>
        %dma_wait3A_229 = tpu.memref_squeeze %dma_wait3A_228 : memref<20x1x2048xf32, #tpu.memory_space<hbm>> -> memref<20x2048xf32, #tpu.memory_space<hbm>>
        tpu.wait_dma2 semaphore(%arg13 : memref<!tpu.dma_semaphore, #tpu.memory_space<semaphore_mem>>) src(%arg9 : memref<20x2048xf32, #tpu.memory_space<vmem>>) dst(%dma_wait3A_229 : memref<20x2048xf32, #tpu.memory_space<hbm>>)
        %add3A_230 = arith.constant 1 : i32
        %add3A_231 = arith.addi %scan3A_173, %add3A_230 : i32
        %get3A_232 = arith.index_cast %add3A_231 : i32 to index
        %get3A_233 = memref.load %arg5[%get3A_232] : memref<32xi32, #tpu.memory_space<smem>>
        %dma_start3A_234 = arith.constant 0 : i32
        %dma_start3A_235 = arith.constant 0 : i32
        %dma_start3A_236 = tpu.memref_slice %arg9[%dma_start3A_234, %dma_start3A_235] : memref<20x2048xf32, #tpu.memory_space<vmem>> -> memref<20x1024xf32, #tpu.memory_space<vmem>>
        %dma_start3A_237 = arith.constant 0 : i32
        %dma_start3A_238 = arith.constant 0 : i32
        %dma_start3A_239 = tpu.memref_slice %arg3[%dma_start3A_237, %get3A_233, %dma_start3A_238] : memref<20x1000x2048xf32, #tpu.memory_space<hbm>> -> memref<20x1x1024xf32, #tpu.memory_space<hbm>>
        %dma_start3A_240 = tpu.memref_squeeze %dma_start3A_239 : memref<20x1x1024xf32, #tpu.memory_space<hbm>> -> memref<20x1024xf32, #tpu.memory_space<hbm>>
        %dma_start3A_241 = arith.constant 0 : i32
        %dma_start3A_242 = arith.constant 0 : i32
        %dma_start3A_243 = tpu.memref_slice %arg9[%dma_start3A_241, %dma_start3A_242] : memref<20x2048xf32, #tpu.memory_space<vmem>> -> memref<20x1024xf32, #tpu.memory_space<vmem>>
        %dma_start3A_244 = arith.constant 0 : i32
        %dma_start3A_245 = arith.constant 0 : i32
        %dma_start3A_246 = tpu.memref_slice %arg3[%dma_start3A_244, %get3A_233, %dma_start3A_245] : memref<20x1000x2048xf32, #tpu.memory_space<hbm>> -> memref<20x1x1024xf32, #tpu.memory_space<hbm>>
        %dma_start3A_247 = tpu.memref_squeeze %dma_start3A_246 : memref<20x1x1024xf32, #tpu.memory_space<hbm>> -> memref<20x1024xf32, #tpu.memory_space<hbm>>
        tpu.enqueue_dma source(%dma_start3A_247 : memref<20x1024xf32, #tpu.memory_space<hbm>>) target(%dma_start3A_243 : memref<20x1024xf32, #tpu.memory_space<vmem>>) target_semaphore(%arg11 : memref<!tpu.dma_semaphore, #tpu.memory_space<semaphore_mem>>)
        %get3A_248 = arith.index_cast %add3A_231 : i32 to index
        %get3A_249 = memref.load %arg5[%get3A_248] : memref<32xi32, #tpu.memory_space<smem>>
        %dma_start3A_250 = arith.constant 0 : i32
        %dma_start3A_251 = arith.constant 1024 : i32
        %dma_start3A_252 = tpu.memref_slice %arg9[%dma_start3A_250, %dma_start3A_251] : memref<20x2048xf32, #tpu.memory_space<vmem>> -> memref<20x1024xf32, #tpu.memory_space<vmem>>
        %dma_start3A_253 = arith.constant 0 : i32
        %dma_start3A_254 = arith.constant 1024 : i32
        %dma_start3A_255 = tpu.memref_slice %arg3[%dma_start3A_253, %get3A_249, %dma_start3A_254] : memref<20x1000x2048xf32, #tpu.memory_space<hbm>> -> memref<20x1x1024xf32, #tpu.memory_space<hbm>>
        %dma_start3A_256 = tpu.memref_squeeze %dma_start3A_255 : memref<20x1x1024xf32, #tpu.memory_space<hbm>> -> memref<20x1024xf32, #tpu.memory_space<hbm>>
        %dma_start3A_257 = arith.constant 0 : i32
        %dma_start3A_258 = arith.constant 1024 : i32
        %dma_start3A_259 = tpu.memref_slice %arg9[%dma_start3A_257, %dma_start3A_258] : memref<20x2048xf32, #tpu.memory_space<vmem>> -> memref<20x1024xf32, #tpu.memory_space<vmem>>
        %dma_start3A_260 = arith.constant 0 : i32
        %dma_start3A_261 = arith.constant 1024 : i32
        %dma_start3A_262 = tpu.memref_slice %arg3[%dma_start3A_260, %get3A_249, %dma_start3A_261] : memref<20x1000x2048xf32, #tpu.memory_space<hbm>> -> memref<20x1x1024xf32, #tpu.memory_space<hbm>>
        %dma_start3A_263 = tpu.memref_squeeze %dma_start3A_262 : memref<20x1x1024xf32, #tpu.memory_space<hbm>> -> memref<20x1024xf32, #tpu.memory_space<hbm>>
        tpu.enqueue_dma source(%dma_start3A_263 : memref<20x1024xf32, #tpu.memory_space<hbm>>) target(%dma_start3A_259 : memref<20x1024xf32, #tpu.memory_space<vmem>>) target_semaphore(%arg11 : memref<!tpu.dma_semaphore, #tpu.memory_space<semaphore_mem>>)
      } else {
      }
      %eq3A_177 = arith.constant 1 : i32
      %eq3A_178 = arith.cmpi eq, %rem3A_174, %eq3A_177 : i32
      %convert_element_type3A_179 = arith.extui %eq3A_178 : i1 to i32
      %cond3A_180 = arith.constant 0 : i32
      %cond3A_181 = arith.cmpi ne, %convert_element_type3A_179, %cond3A_180 : i32
      scf.if %cond3A_181 {
        %dma_wait3A_182 = arith.constant 0 : i32
        %dma_wait3A_183 = arith.constant 0 : i32
        %dma_wait3A_184 = arith.constant 0 : i32
        %dma_wait3A_185 = tpu.memref_slice %arg3[%dma_wait3A_183, %dma_wait3A_182, %dma_wait3A_184] : memref<20x1000x2048xf32, #tpu.memory_space<hbm>> -> memref<20x1x2048xf32, #tpu.memory_space<hbm>>
        %dma_wait3A_186 = tpu.memref_squeeze %dma_wait3A_185 : memref<20x1x2048xf32, #tpu.memory_space<hbm>> -> memref<20x2048xf32, #tpu.memory_space<hbm>>
        %dma_wait3A_187 = arith.constant 0 : i32
        %dma_wait3A_188 = arith.constant 0 : i32
        %dma_wait3A_189 = tpu.memref_slice %arg3[%dma_wait3A_187, %dma_wait3A_182, %dma_wait3A_188] : memref<20x1000x2048xf32, #tpu.memory_space<hbm>> -> memref<20x1x2048xf32, #tpu.memory_space<hbm>>
        %dma_wait3A_190 = tpu.memref_squeeze %dma_wait3A_189 : memref<20x1x2048xf32, #tpu.memory_space<hbm>> -> memref<20x2048xf32, #tpu.memory_space<hbm>>
        tpu.wait_dma2 semaphore(%arg11 : memref<!tpu.dma_semaphore, #tpu.memory_space<semaphore_mem>>) src(%dma_wait3A_190 : memref<20x2048xf32, #tpu.memory_space<hbm>>) dst(%arg9 : memref<20x2048xf32, #tpu.memory_space<vmem>>)
        %add3A_191 = arith.addi %mul3A_2, %scan3A_173 : i32
        %dma_start3A_192 = arith.constant 0 : i32
        %dma_start3A_193 = arith.constant 0 : i32
        %dma_start3A_194 = tpu.memref_slice %arg9[%dma_start3A_192, %dma_start3A_193] : memref<20x2048xf32, #tpu.memory_space<vmem>> -> memref<20x1024xf32, #tpu.memory_space<vmem>>
        %dma_start3A_195 = arith.constant 0 : i32
        %dma_start3A_196 = arith.constant 0 : i32
        %dma_start3A_197 = tpu.memref_slice %arg4[%dma_start3A_195, %add3A_191, %dma_start3A_196] : memref<20x1024x2048xf32, #tpu.memory_space<hbm>> -> memref<20x1x1024xf32, #tpu.memory_space<hbm>>
        %dma_start3A_198 = tpu.memref_squeeze %dma_start3A_197 : memref<20x1x1024xf32, #tpu.memory_space<hbm>> -> memref<20x1024xf32, #tpu.memory_space<hbm>>
        %dma_start3A_199 = arith.constant 0 : i32
        %dma_start3A_200 = arith.constant 0 : i32
        %dma_start3A_201 = tpu.memref_slice %arg4[%dma_start3A_199, %add3A_191, %dma_start3A_200] : memref<20x1024x2048xf32, #tpu.memory_space<hbm>> -> memref<20x1x1024xf32, #tpu.memory_space<hbm>>
        %dma_start3A_202 = tpu.memref_squeeze %dma_start3A_201 : memref<20x1x1024xf32, #tpu.memory_space<hbm>> -> memref<20x1024xf32, #tpu.memory_space<hbm>>
        %dma_start3A_203 = arith.constant 0 : i32
        %dma_start3A_204 = arith.constant 0 : i32
        %dma_start3A_205 = tpu.memref_slice %arg9[%dma_start3A_203, %dma_start3A_204] : memref<20x2048xf32, #tpu.memory_space<vmem>> -> memref<20x1024xf32, #tpu.memory_space<vmem>>
        tpu.enqueue_dma source(%dma_start3A_205 : memref<20x1024xf32, #tpu.memory_space<vmem>>) target(%dma_start3A_202 : memref<20x1024xf32, #tpu.memory_space<hbm>>) target_semaphore(%arg13 : memref<!tpu.dma_semaphore, #tpu.memory_space<semaphore_mem>>)
        %add3A_206 = arith.addi %mul3A_2, %scan3A_173 : i32
        %dma_start3A_207 = arith.constant 0 : i32
        %dma_start3A_208 = arith.constant 1024 : i32
        %dma_start3A_209 = tpu.memref_slice %arg9[%dma_start3A_207, %dma_start3A_208] : memref<20x2048xf32, #tpu.memory_space<vmem>> -> memref<20x1024xf32, #tpu.memory_space<vmem>>
        %dma_start3A_210 = arith.constant 0 : i32
        %dma_start3A_211 = arith.constant 1024 : i32
        %dma_start3A_212 = tpu.memref_slice %arg4[%dma_start3A_210, %add3A_206, %dma_start3A_211] : memref<20x1024x2048xf32, #tpu.memory_space<hbm>> -> memref<20x1x1024xf32, #tpu.memory_space<hbm>>
        %dma_start3A_213 = tpu.memref_squeeze %dma_start3A_212 : memref<20x1x1024xf32, #tpu.memory_space<hbm>> -> memref<20x1024xf32, #tpu.memory_space<hbm>>
        %dma_start3A_214 = arith.constant 0 : i32
        %dma_start3A_215 = arith.constant 1024 : i32
        %dma_start3A_216 = tpu.memref_slice %arg4[%dma_start3A_214, %add3A_206, %dma_start3A_215] : memref<20x1024x2048xf32, #tpu.memory_space<hbm>> -> memref<20x1x1024xf32, #tpu.memory_space<hbm>>
        %dma_start3A_217 = tpu.memref_squeeze %dma_start3A_216 : memref<20x1x1024xf32, #tpu.memory_space<hbm>> -> memref<20x1024xf32, #tpu.memory_space<hbm>>
        %dma_start3A_218 = arith.constant 0 : i32
        %dma_start3A_219 = arith.constant 1024 : i32
        %dma_start3A_220 = tpu.memref_slice %arg9[%dma_start3A_218, %dma_start3A_219] : memref<20x2048xf32, #tpu.memory_space<vmem>> -> memref<20x1024xf32, #tpu.memory_space<vmem>>
        tpu.enqueue_dma source(%dma_start3A_220 : memref<20x1024xf32, #tpu.memory_space<vmem>>) target(%dma_start3A_217 : memref<20x1024xf32, #tpu.memory_space<hbm>>) target_semaphore(%arg13 : memref<!tpu.dma_semaphore, #tpu.memory_space<semaphore_mem>>)
        %dma_wait3A_221 = arith.constant 0 : i32
        %dma_wait3A_222 = arith.constant 0 : i32
        %dma_wait3A_223 = arith.constant 0 : i32
        %dma_wait3A_224 = tpu.memref_slice %arg4[%dma_wait3A_222, %dma_wait3A_221, %dma_wait3A_223] : memref<20x1024x2048xf32, #tpu.memory_space<hbm>> -> memref<20x1x2048xf32, #tpu.memory_space<hbm>>
        %dma_wait3A_225 = tpu.memref_squeeze %dma_wait3A_224 : memref<20x1x2048xf32, #tpu.memory_space<hbm>> -> memref<20x2048xf32, #tpu.memory_space<hbm>>
        %dma_wait3A_226 = arith.constant 0 : i32
        %dma_wait3A_227 = arith.constant 0 : i32
        %dma_wait3A_228 = tpu.memref_slice %arg4[%dma_wait3A_226, %dma_wait3A_221, %dma_wait3A_227] : memref<20x1024x2048xf32, #tpu.memory_space<hbm>> -> memref<20x1x2048xf32, #tpu.memory_space<hbm>>
        %dma_wait3A_229 = tpu.memref_squeeze %dma_wait3A_228 : memref<20x1x2048xf32, #tpu.memory_space<hbm>> -> memref<20x2048xf32, #tpu.memory_space<hbm>>
        tpu.wait_dma2 semaphore(%arg12 : memref<!tpu.dma_semaphore, #tpu.memory_space<semaphore_mem>>) src(%arg8 : memref<20x2048xf32, #tpu.memory_space<vmem>>) dst(%dma_wait3A_229 : memref<20x2048xf32, #tpu.memory_space<hbm>>)
        %add3A_230 = arith.constant 1 : i32
        %add3A_231 = arith.addi %scan3A_173, %add3A_230 : i32
        %get3A_232 = arith.index_cast %add3A_231 : i32 to index
        %get3A_233 = memref.load %arg5[%get3A_232] : memref<32xi32, #tpu.memory_space<smem>>
        %dma_start3A_234 = arith.constant 0 : i32
        %dma_start3A_235 = arith.constant 0 : i32
        %dma_start3A_236 = tpu.memref_slice %arg8[%dma_start3A_234, %dma_start3A_235] : memref<20x2048xf32, #tpu.memory_space<vmem>> -> memref<20x1024xf32, #tpu.memory_space<vmem>>
        %dma_start3A_237 = arith.constant 0 : i32
        %dma_start3A_238 = arith.constant 0 : i32
        %dma_start3A_239 = tpu.memref_slice %arg3[%dma_start3A_237, %get3A_233, %dma_start3A_238] : memref<20x1000x2048xf32, #tpu.memory_space<hbm>> -> memref<20x1x1024xf32, #tpu.memory_space<hbm>>
        %dma_start3A_240 = tpu.memref_squeeze %dma_start3A_239 : memref<20x1x1024xf32, #tpu.memory_space<hbm>> -> memref<20x1024xf32, #tpu.memory_space<hbm>>
        %dma_start3A_241 = arith.constant 0 : i32
        %dma_start3A_242 = arith.constant 0 : i32
        %dma_start3A_243 = tpu.memref_slice %arg8[%dma_start3A_241, %dma_start3A_242] : memref<20x2048xf32, #tpu.memory_space<vmem>> -> memref<20x1024xf32, #tpu.memory_space<vmem>>
        %dma_start3A_244 = arith.constant 0 : i32
        %dma_start3A_245 = arith.constant 0 : i32
        %dma_start3A_246 = tpu.memref_slice %arg3[%dma_start3A_244, %get3A_233, %dma_start3A_245] : memref<20x1000x2048xf32, #tpu.memory_space<hbm>> -> memref<20x1x1024xf32, #tpu.memory_space<hbm>>
        %dma_start3A_247 = tpu.memref_squeeze %dma_start3A_246 : memref<20x1x1024xf32, #tpu.memory_space<hbm>> -> memref<20x1024xf32, #tpu.memory_space<hbm>>
        tpu.enqueue_dma source(%dma_start3A_247 : memref<20x1024xf32, #tpu.memory_space<hbm>>) target(%dma_start3A_243 : memref<20x1024xf32, #tpu.memory_space<vmem>>) target_semaphore(%arg10 : memref<!tpu.dma_semaphore, #tpu.memory_space<semaphore_mem>>)
        %get3A_248 = arith.index_cast %add3A_231 : i32 to index
        %get3A_249 = memref.load %arg5[%get3A_248] : memref<32xi32, #tpu.memory_space<smem>>
        %dma_start3A_250 = arith.constant 0 : i32
        %dma_start3A_251 = arith.constant 1024 : i32
        %dma_start3A_252 = tpu.memref_slice %arg8[%dma_start3A_250, %dma_start3A_251] : memref<20x2048xf32, #tpu.memory_space<vmem>> -> memref<20x1024xf32, #tpu.memory_space<vmem>>
        %dma_start3A_253 = arith.constant 0 : i32
        %dma_start3A_254 = arith.constant 1024 : i32
        %dma_start3A_255 = tpu.memref_slice %arg3[%dma_start3A_253, %get3A_249, %dma_start3A_254] : memref<20x1000x2048xf32, #tpu.memory_space<hbm>> -> memref<20x1x1024xf32, #tpu.memory_space<hbm>>
        %dma_start3A_256 = tpu.memref_squeeze %dma_start3A_255 : memref<20x1x1024xf32, #tpu.memory_space<hbm>> -> memref<20x1024xf32, #tpu.memory_space<hbm>>
        %dma_start3A_257 = arith.constant 0 : i32
        %dma_start3A_258 = arith.constant 1024 : i32
        %dma_start3A_259 = tpu.memref_slice %arg8[%dma_start3A_257, %dma_start3A_258] : memref<20x2048xf32, #tpu.memory_space<vmem>> -> memref<20x1024xf32, #tpu.memory_space<vmem>>
        %dma_start3A_260 = arith.constant 0 : i32
        %dma_start3A_261 = arith.constant 1024 : i32
        %dma_start3A_262 = tpu.memref_slice %arg3[%dma_start3A_260, %get3A_249, %dma_start3A_261] : memref<20x1000x2048xf32, #tpu.memory_space<hbm>> -> memref<20x1x1024xf32, #tpu.memory_space<hbm>>
        %dma_start3A_263 = tpu.memref_squeeze %dma_start3A_262 : memref<20x1x1024xf32, #tpu.memory_space<hbm>> -> memref<20x1024xf32, #tpu.memory_space<hbm>>
        tpu.enqueue_dma source(%dma_start3A_263 : memref<20x1024xf32, #tpu.memory_space<hbm>>) target(%dma_start3A_259 : memref<20x1024xf32, #tpu.memory_space<vmem>>) target_semaphore(%arg10 : memref<!tpu.dma_semaphore, #tpu.memory_space<semaphore_mem>>)
      } else {
      }
    }
    %scan3A_113 = arith.constant 30 : i32
    %dma_wait3A_114 = arith.constant 0 : i32
    %dma_wait3A_115 = arith.constant 0 : i32
    %dma_wait3A_116 = arith.constant 0 : i32
    %dma_wait3A_117 = tpu.memref_slice %arg3[%dma_wait3A_115, %dma_wait3A_114, %dma_wait3A_116] : memref<20x1000x2048xf32, #tpu.memory_space<hbm>> -> memref<20x1x2048xf32, #tpu.memory_space<hbm>>
    %dma_wait3A_118 = tpu.memref_squeeze %dma_wait3A_117 : memref<20x1x2048xf32, #tpu.memory_space<hbm>> -> memref<20x2048xf32, #tpu.memory_space<hbm>>
    %dma_wait3A_119 = arith.constant 0 : i32
    %dma_wait3A_120 = arith.constant 0 : i32
    %dma_wait3A_121 = tpu.memref_slice %arg3[%dma_wait3A_119, %dma_wait3A_114, %dma_wait3A_120] : memref<20x1000x2048xf32, #tpu.memory_space<hbm>> -> memref<20x1x2048xf32, #tpu.memory_space<hbm>>
    %dma_wait3A_122 = tpu.memref_squeeze %dma_wait3A_121 : memref<20x1x2048xf32, #tpu.memory_space<hbm>> -> memref<20x2048xf32, #tpu.memory_space<hbm>>
    tpu.wait_dma2 semaphore(%arg11 : memref<!tpu.dma_semaphore, #tpu.memory_space<semaphore_mem>>) src(%dma_wait3A_122 : memref<20x2048xf32, #tpu.memory_space<hbm>>) dst(%arg9 : memref<20x2048xf32, #tpu.memory_space<vmem>>)
    %add3A_123 = arith.constant 31 : i32
    %add3A_124 = arith.addi %mul3A_2, %add3A_123 : i32
    %dma_start3A_125 = arith.constant 0 : i32
    %dma_start3A_126 = arith.constant 0 : i32
    %dma_start3A_127 = tpu.memref_slice %arg9[%dma_start3A_125, %dma_start3A_126] : memref<20x2048xf32, #tpu.memory_space<vmem>> -> memref<20x1024xf32, #tpu.memory_space<vmem>>
    %dma_start3A_128 = arith.constant 0 : i32
    %dma_start3A_129 = arith.constant 0 : i32
    %dma_start3A_130 = tpu.memref_slice %arg4[%dma_start3A_128, %add3A_124, %dma_start3A_129] : memref<20x1024x2048xf32, #tpu.memory_space<hbm>> -> memref<20x1x1024xf32, #tpu.memory_space<hbm>>
    %dma_start3A_131 = tpu.memref_squeeze %dma_start3A_130 : memref<20x1x1024xf32, #tpu.memory_space<hbm>> -> memref<20x1024xf32, #tpu.memory_space<hbm>>
    %dma_start3A_132 = arith.constant 0 : i32
    %dma_start3A_133 = arith.constant 0 : i32
    %dma_start3A_134 = tpu.memref_slice %arg4[%dma_start3A_132, %add3A_124, %dma_start3A_133] : memref<20x1024x2048xf32, #tpu.memory_space<hbm>> -> memref<20x1x1024xf32, #tpu.memory_space<hbm>>
    %dma_start3A_135 = tpu.memref_squeeze %dma_start3A_134 : memref<20x1x1024xf32, #tpu.memory_space<hbm>> -> memref<20x1024xf32, #tpu.memory_space<hbm>>
    %dma_start3A_136 = arith.constant 0 : i32
    %dma_start3A_137 = arith.constant 0 : i32
    %dma_start3A_138 = tpu.memref_slice %arg9[%dma_start3A_136, %dma_start3A_137] : memref<20x2048xf32, #tpu.memory_space<vmem>> -> memref<20x1024xf32, #tpu.memory_space<vmem>>
    tpu.enqueue_dma source(%dma_start3A_138 : memref<20x1024xf32, #tpu.memory_space<vmem>>) target(%dma_start3A_135 : memref<20x1024xf32, #tpu.memory_space<hbm>>) target_semaphore(%arg13 : memref<!tpu.dma_semaphore, #tpu.memory_space<semaphore_mem>>)
    %add3A_139 = arith.constant 31 : i32
    %add3A_140 = arith.addi %mul3A_2, %add3A_139 : i32
    %dma_start3A_141 = arith.constant 0 : i32
    %dma_start3A_142 = arith.constant 1024 : i32
    %dma_start3A_143 = tpu.memref_slice %arg9[%dma_start3A_141, %dma_start3A_142] : memref<20x2048xf32, #tpu.memory_space<vmem>> -> memref<20x1024xf32, #tpu.memory_space<vmem>>
    %dma_start3A_144 = arith.constant 0 : i32
    %dma_start3A_145 = arith.constant 1024 : i32
    %dma_start3A_146 = tpu.memref_slice %arg4[%dma_start3A_144, %add3A_140, %dma_start3A_145] : memref<20x1024x2048xf32, #tpu.memory_space<hbm>> -> memref<20x1x1024xf32, #tpu.memory_space<hbm>>
    %dma_start3A_147 = tpu.memref_squeeze %dma_start3A_146 : memref<20x1x1024xf32, #tpu.memory_space<hbm>> -> memref<20x1024xf32, #tpu.memory_space<hbm>>
    %dma_start3A_148 = arith.constant 0 : i32
    %dma_start3A_149 = arith.constant 1024 : i32
    %dma_start3A_150 = tpu.memref_slice %arg4[%dma_start3A_148, %add3A_140, %dma_start3A_149] : memref<20x1024x2048xf32, #tpu.memory_space<hbm>> -> memref<20x1x1024xf32, #tpu.memory_space<hbm>>
    %dma_start3A_151 = tpu.memref_squeeze %dma_start3A_150 : memref<20x1x1024xf32, #tpu.memory_space<hbm>> -> memref<20x1024xf32, #tpu.memory_space<hbm>>
    %dma_start3A_152 = arith.constant 0 : i32
    %dma_start3A_153 = arith.constant 1024 : i32
    %dma_start3A_154 = tpu.memref_slice %arg9[%dma_start3A_152, %dma_start3A_153] : memref<20x2048xf32, #tpu.memory_space<vmem>> -> memref<20x1024xf32, #tpu.memory_space<vmem>>
    tpu.enqueue_dma source(%dma_start3A_154 : memref<20x1024xf32, #tpu.memory_space<vmem>>) target(%dma_start3A_151 : memref<20x1024xf32, #tpu.memory_space<hbm>>) target_semaphore(%arg13 : memref<!tpu.dma_semaphore, #tpu.memory_space<semaphore_mem>>)
    %dma_wait3A_155 = arith.constant 0 : i32
    %dma_wait3A_156 = arith.constant 0 : i32
    %dma_wait3A_157 = arith.constant 0 : i32
    %dma_wait3A_158 = tpu.memref_slice %arg4[%dma_wait3A_156, %dma_wait3A_155, %dma_wait3A_157] : memref<20x1024x2048xf32, #tpu.memory_space<hbm>> -> memref<20x1x2048xf32, #tpu.memory_space<hbm>>
    %dma_wait3A_159 = tpu.memref_squeeze %dma_wait3A_158 : memref<20x1x2048xf32, #tpu.memory_space<hbm>> -> memref<20x2048xf32, #tpu.memory_space<hbm>>
    %dma_wait3A_160 = arith.constant 0 : i32
    %dma_wait3A_161 = arith.constant 0 : i32
    %dma_wait3A_162 = tpu.memref_slice %arg4[%dma_wait3A_160, %dma_wait3A_155, %dma_wait3A_161] : memref<20x1024x2048xf32, #tpu.memory_space<hbm>> -> memref<20x1x2048xf32, #tpu.memory_space<hbm>>
    %dma_wait3A_163 = tpu.memref_squeeze %dma_wait3A_162 : memref<20x1x2048xf32, #tpu.memory_space<hbm>> -> memref<20x2048xf32, #tpu.memory_space<hbm>>
    tpu.wait_dma2 semaphore(%arg12 : memref<!tpu.dma_semaphore, #tpu.memory_space<semaphore_mem>>) src(%arg8 : memref<20x2048xf32, #tpu.memory_space<vmem>>) dst(%dma_wait3A_163 : memref<20x2048xf32, #tpu.memory_space<hbm>>)
    %dma_wait3A_164 = arith.constant 0 : i32
    %dma_wait3A_165 = arith.constant 0 : i32
    %dma_wait3A_166 = arith.constant 0 : i32
    %dma_wait3A_167 = tpu.memref_slice %arg4[%dma_wait3A_165, %dma_wait3A_164, %dma_wait3A_166] : memref<20x1024x2048xf32, #tpu.memory_space<hbm>> -> memref<20x1x2048xf32, #tpu.memory_space<hbm>>
    %dma_wait3A_168 = tpu.memref_squeeze %dma_wait3A_167 : memref<20x1x2048xf32, #tpu.memory_space<hbm>> -> memref<20x2048xf32, #tpu.memory_space<hbm>>
    %dma_wait3A_169 = arith.constant 0 : i32
    %dma_wait3A_170 = arith.constant 0 : i32
    %dma_wait3A_171 = tpu.memref_slice %arg4[%dma_wait3A_169, %dma_wait3A_164, %dma_wait3A_170] : memref<20x1024x2048xf32, #tpu.memory_space<hbm>> -> memref<20x1x2048xf32, #tpu.memory_space<hbm>>
    %dma_wait3A_172 = tpu.memref_squeeze %dma_wait3A_171 : memref<20x1x2048xf32, #tpu.memory_space<hbm>> -> memref<20x2048xf32, #tpu.memory_space<hbm>>
    tpu.wait_dma2 semaphore(%arg13 : memref<!tpu.dma_semaphore, #tpu.memory_space<semaphore_mem>>) src(%arg9 : memref<20x2048xf32, #tpu.memory_space<vmem>>) dst(%dma_wait3A_172 : memref<20x2048xf32, #tpu.memory_space<hbm>>)
    return
  }
}

</mosaic_0001>

<sc_bundles>
// kernel: kernel.3.cloned.1.call-start
scs
__scs_entry_jumppad:
0x0: {  	(pc) =	sbr.rel $0x88, $3  }
0x1: {  	(tag) =	ssettag $0x0;
	lr =	simm.s32 $0x1  }
0x2: {  	[smem:$0x3F9F] =	sst lr;
	_ =	strace $0xD0000000  }
0x3: {  	_ = 	snop  }
0x4: {  	_ = 	snop  }
0x5: {  	_ = 	snop  }
0x6: {  	_ = 	snop  }
0x7: {  	_ = 	snop  }
__scs_overlays_trampoline_lowered:
0x8: {  	[smem:$0x3FAE] =	sst s0  }
0x9: {  	[smem:$0x3FAF] =	sst s1  }
0xa: {  	[smem:$0x3FB0] =	sst s2  }
0xb: {  	[smem:$0x3FB1] =	sst s3  }
0xc: {  	[smem:$0x3FB2] =	sst s4  }
0xd: {  	[smem:$0x3FB3] =	sst s5  }
0xe: {  	[smem:$0x3FB4] =	sst s6  }
0xf: {  	[smem:$0x3FB5] =	sst s7  }
0x10: {  	[smem:$0x3FB6] =	sst s8  }
0x11: {  	[smem:$0x3FB7] =	sst s9;
	s0 =	simm.s32 @!p0 $0x0  }
0x12: {  	s1 =	sld [smem:$0x3F9D];
	s0 =	simm.s32 @p0 $0x1  }
0x13: {  	[smem:$0x3FB8] =	sst s0;
	s0 =	simm.s32 @!p1 $0x0  }
0x14: {  	s2 =	sld [smem:$0x3F9C];
	s0 =	simm.s32 @p1 $0x1  }
0x15: {  	[smem:$0x3FB9] =	sst s0;
	s0 =	simm.s32 @!p2 $0x0  }
0x16: {  	s3 =	sld [smem:$0x3FDB];
	s0 =	simm.s32 @p2 $0x1  }
0x17: {  	s4 =	simm.s32 $0x1BF5;
	[smem:$0x3FBB] =	sst s0  }
0x18: {  	s0 =	sld [smem:$0x3F9E];
	_ =	swait.ge [sflag:s4], $0x0  }
0x19: {  	s7 =	sld [smem:$0x3F9F]  }
0x1a: {  	s8 =	sadd.s32 $0xFFFFE003, lr  }
0x1b: {  	s9 =	sadd.s32 $0xFFFFFEF7, lr;
	s5 =	simm.s32 $0xFFFFFFFF;
	p2 =	slt.u32 s8, $0xFFFFF086  }
0x1c: {  	p1 =	slt.u32 s9, $0xF7A;
	s5 =	simm.s32 @!p2 $0x0  }
0x1d: {  	s5 =	simm.s32 @p1 $0x1;
	p0 =	seq.s32 s7, s2  }
0x1e: {  	s7 =	smul.u32 @!p0 $0xF7A, s2;
	p2 =	seq.s32 @!p0 s5, $0x0  }
0x1f: {  	s9 =	smul.u32 $0xF7A, s1;
	s8 =	simm.s32 @!p0 $0x1BF5;
	p2 =	por !p2, p0  }
0x20: {  	[sflag:s8] =	ssyncset.s32 @!p0 $0xFFFFF086;
	s6 =	sadd.s32 @!p0 s3, s7;
	s7 =	simm.s32 @!p0 $0x108  }
0x21: {  	s3 =	sadd.s32 s3, s9;
	s6 =	sadd.s32 @!p0 $0x88, s6;
	s7 =	simm.s32 @p2 $0x1082  }
0x22: {  	[simem:s7], [sflag:s8] =	dma.local @!p0 [hbm:s6], $0xF7A  }
0x23: {  	s9 =	sor.u32 $0xD0000000, s2;
	s6 =	simm.s32 $0x108;
	_ =	swait.ge @!p0 [sflag:s8], $0x0  }
0x24: {  	s3 =	sadd.s32 $0x88, s3;
	s6 =	simm.s32 @!p1 $0x1082;
	[sflag:s4] =	ssyncset.s32 $0xFFFFF086  }
0x25: {  	[simem:s6], [sflag:s4] =	dma.local [hbm:s3], $0xF7A  }
0x26: {  	[smem:$0x3F9F] =	sst s1;
	(tag) =	ssettag s2;
	_ =	strace s9  }
0x27: {  	s1 =	sld [smem:$0x3FAF]  }
0x28: {  	s2 =	sld [smem:$0x3FB0]  }
0x29: {  	s4 =	sld [smem:$0x3FB2]  }
0x2a: {  	p0 =	seq.s32 s5, $0x0;
	s5 =	sld [smem:$0x3FB3]  }
0x2b: {  	s6 =	sld [smem:$0x3FB4]  }
0x2c: {  	s7 =	sld [smem:$0x3FB5]  }
0x2d: {  	s3 =	simm.s32 $0x108;
	s8 =	sld [smem:$0x3FB6]  }
0x2e: {  	s3 =	simm.s32 @!p0 $0x1082;
	s9 =	sld [smem:$0x3FB7]  }
0x2f: {  	lr =	sadd.s32 s0, s3;
	s0 =	sld [smem:$0x3FAE]  }
0x30: {  	s3 =	sld [smem:$0x3FB1]  }
0x31: {  	[smem:$0x3FBA] =	sst s10  }
0x32: {  	s10 =	sld [smem:$0x3FB8];
	_ =	sdelay $0x3  }
0x33: {  	p0 =	seq.s32 s10, $0x1;
	s10 =	sld [smem:$0x3FBA];
	_ =	sdelay $0x3  }
0x34: {  	[smem:$0x3FBA] =	sst s10  }
0x35: {  	s10 =	sld [smem:$0x3FB9];
	_ =	sdelay $0x3  }
0x36: {  	p1 =	seq.s32 s10, $0x1;
	s10 =	sld [smem:$0x3FBA];
	_ =	sdelay $0x3  }
0x37: {  	[smem:$0x3FBA] =	sst s10  }
0x38: {  	s10 =	sld [smem:$0x3FBB]  }
0x39: {  	_ = 	snop;
	(pc) =	sbr.ind lr, $3  }
0x3a: {  	_ = 	snop  }
0x3b: {  	_ = 	snop  }
0x3c: {  	p2 =	seq.s32 s10, $0x1;
	s10 =	sld [smem:$0x3FBA]  }
0x3d: {  	_ =	shalt  }
0x3e: {  	_ =	shalt  }
0x3f: {  	_ =	shalt  }
0x40: {  	_ =	shalt  }
0x41: {  	_ =	shalt  }
0x42: {  	_ =	shalt  }
0x43: {  	_ =	shalt  }
0x44: {  	_ =	shalt  }
0x45: {  	_ =	shalt  }
0x46: {  	_ =	shalt  }
0x47: {  	_ =	shalt  }
0x48: {  	_ =	shalt  }
0x49: {  	_ =	shalt  }
0x4a: {  	_ =	shalt  }
0x4b: {  	_ =	shalt  }
0x4c: {  	_ =	shalt  }
0x4d: {  	_ =	shalt  }
0x4e: {  	_ =	shalt  }
0x4f: {  	_ =	shalt  }
0x50: {  	_ =	shalt  }
0x51: {  	_ =	shalt  }
0x52: {  	_ =	shalt  }
0x53: {  	_ =	shalt  }
0x54: {  	_ =	shalt  }
0x55: {  	_ =	shalt  }
0x56: {  	_ =	shalt  }
0x57: {  	_ =	shalt  }
0x58: {  	_ =	shalt  }
0x59: {  	_ =	shalt  }
0x5a: {  	_ =	shalt  }
0x5b: {  	_ =	shalt  }
0x5c: {  	_ =	shalt  }
0x5d: {  	_ =	shalt  }
0x5e: {  	_ =	shalt  }
0x5f: {  	_ =	shalt  }
0x60: {  	_ =	shalt  }
0x61: {  	_ =	shalt  }
0x62: {  	_ =	shalt  }
0x63: {  	_ =	shalt  }
0x64: {  	_ =	shalt  }
0x65: {  	_ =	shalt  }
0x66: {  	_ =	shalt  }
0x67: {  	_ =	shalt  }
0x68: {  	_ =	shalt  }
0x69: {  	_ =	shalt  }
0x6a: {  	_ =	shalt  }
0x6b: {  	_ =	shalt  }
0x6c: {  	_ =	shalt  }
0x6d: {  	_ =	shalt  }
0x6e: {  	_ =	shalt  }
0x6f: {  	_ =	shalt  }
0x70: {  	_ =	shalt  }
0x71: {  	_ =	shalt  }
0x72: {  	_ =	shalt  }
0x73: {  	_ =	shalt  }
0x74: {  	_ =	shalt  }
0x75: {  	_ =	shalt  }
0x76: {  	_ =	shalt  }
0x77: {  	_ =	shalt  }
0x78: {  	_ =	shalt  }
0x79: {  	_ =	shalt  }
0x7a: {  	_ =	shalt  }
0x7b: {  	_ =	shalt  }
0x7c: {  	_ =	shalt  }
0x7d: {  	_ =	shalt  }
0x7e: {  	_ =	shalt  }
0x7f: {  	_ =	shalt  }
0x80: {  	_ =	shalt  }
0x81: {  	_ =	shalt  }
0x82: {  	_ =	shalt  }
0x83: {  	_ =	shalt  }
0x84: {  	_ =	shalt  }
0x85: {  	_ =	shalt  }
0x86: {  	_ =	shalt  }
0x87: {  	_ =	shalt  }
.Lfunc_end0:
.L_simem_size_0:
called_computation_lowered:
.L_overlay_start_0:
0x88: {  	s2 =	sld [smem:$0x3FD9]  }
0x89: {  	s3 =	sld [smem:$0x3FFE];
	_ =	sdelay $0x1  }
0x8a: {  	s1 =	srdreg.scid  }
0x8b: {  	s0 =	sand.u32 $0x1, s1  }
0x8c: {  	s18 =	sshll.u32 s0, $0xA;
	s2 =	sadd.s32 s3, s2  }
0x8d: {  	s2 =	sadd.s32 s2, s18  }
0x8e: {  	[smem:$0x3FC6] =	sst s2  }
0x8f: {  	_ = 	snop  }
0x90: {  	s2 =	sld [smem:$0x3FC9]  }
0x91: {  	s19 =	sld [smem:$0x3FC8]  }
0x92: {  	s4 =	sld [smem:$0x3FD0];
	(tm) =	ssettm $0x1  }
0x93: {  	s5 =	sld [smem:$0x3FFB];
	_ =	sdelay $0x3  }
0x94: {  	_ =	strace s5  }
0x95: {  	s5 =	sld [smem:$0x3FFC];
	_ =	sdelay $0x3  }
0x96: {  	_ =	strace s5  }
0x97: {  	s5 =	sld [smem:$0x3FFD];
	_ =	sdelay $0x3  }
0x98: {  	_ =	strace s5  }
0x99: {  	_ =	strace $0x8FFFFFFF  }
0x9a: {  	s20 =	sld [smem:$0x3FDB];
	_ =	sdelay $0x1  }
0x9b: {  	s6 =	simm.s32 $_scs_section_size  }
0x9c: {  	s7 =	simm.s32 $_size__tile_overlayer_lowered;
	s8 =	simm.s32 $_tile_overlayer_lowered  }
0x9d: {  	s23 =	simm.s32 $0x1BFF;
	s22 =	sshll.u32 s8, $0x1;
	s5 =	sadd.s32 s6, s20  }
0x9e: {  	s9 =	simm.s32 $0x0;
	s21 =	sshll.u32 s7, $0x1;
	s7 =	sadd.s32 s22, s5  }
0x9f: {  	[timem:s9], [sflag:s23] =	dma.local [hbm:s7], s21  }
0xa0: {  	_ =	swait.ge [sflag:s23], s21  }
0xa1: {  	s6 =	ssub.s32 $0x0, s21;
	[sflag:s23] =	ssyncset.done $0x0  }
0xa2: {  	[sflag:s23] =	ssyncadd.s32 s6;
	_ =	sdelay $0x1  }
0xa3: {  	s24 =	simm.s32 $0x1B8B  }
0xa4: {  	_ =	swait.ge [sflag:s24], $0x1  }
0xa5: {  	[sflag:s24] =	ssyncset.done $0x0  }
0xa6: {  	s25 =	simm.s32 $0x1B8E;
	[sflag:s24] =	ssyncadd.s32 $0xFFFFFFFF  }
0xa7: {  	s26 =	simm.s32 $execute0_lowered;
	[smem:$0x3FD2] =	sst s25  }
0xa8: {  	s6 =	sshll.u32 s26, $0x1;
	_ =	strace $0x80000046;
	[dreg:$0x1] =	wrdreg $0xFFFFFFFF  }
0xa9: {  	s28 =	simm.s32 $_size_execute0_lowered;
	s5 =	sadd.s32 s5, s6;
	[dreg:$0x0] =	wrdreg $0x0  }
0xaa: {  	s6 =	sshll.u32 s28, $0x1;
	[dreg:$0x2] =	wrdreg s5  }
0xab: {  	[dreg:$0x3] =	wrdreg s6  }
0xac: {  	[dreg:$0x4] =	wrdreg $0xC0  }
0xad: {  	_ =	task [dreg:s9], $0x5FFFF  }
0xae: {  	[dreg:$0x1] =	wrdreg $0xFFFFFFFF  }
0xaf: {  	[dreg:$0x0] =	wrdreg $0x60  }
0xb0: {  	[dreg:$0x2] =	wrdreg s2  }
0xb1: {  	[dreg:$0x3] =	wrdreg s19  }
0xb2: {  	[dreg:$0x4] =	wrdreg s4  }
0xb3: {  	[dreg:$0x5] =	wrdreg $0x800  }
0xb4: {  	[dreg:$0x6] =	wrdreg $0x9  }
0xb5: {  	_ =	task.clear_ibuf [dreg:s9], $0x7FFFF;
	_ =	strace $0x90000046  }
0xb6: {  	s29 =	simm.s32 $0x9;
	_ =	strace $0x80000048  }
0xb7: {  	_ =	swait.ge [sflag:s29], $0x1  }
0xb8: {  	[sflag:s29] =	ssyncadd.s32 $0xFFFFFFFF  }
0xb9: {  	_ =	strace $0x90000048  }
0xba: {  	_ =	sfence  }
0xbb: {  	s30 =	sld [smem:$0x0];
	_ =	sdelay $0x2  }
0xbc: {  	s31 =	sshll.u32 s1, $0xD;
	s1 =	sshrl.u32 s1, $0x2  }
0xbd: {  	s3 =	sand.u32 $0x4000, s31;
	s1 =	sadd.s32 s1, s30  }
0xbe: {  	s0 =	sor.u32 s3, s0;
	s1 =	sshll.u32 s1, $0x11  }
0xbf: {  	s0 =	sor.u32 s1, s0  }
0xc0: {  	s0 =	sadd.s32 $0x8F2B, s0  }
0xc1: {  	[sflag:s0] =	ssyncadd.remote.s32 $0x1  }
0xc2: {  	_ =	sfence.sel $0xFFFF  }
0xc3: {  	[dreg:$0x0] =	wrdreg $0xFFFFFFFF;
	(pc) =	sbr.abs _section_cstart, $3  }
0xc4: {  	[dreg:$0x1] =	wrdreg $0xFFFFFFFF  }
0xc5: {  	_ =	task.clear_ibuf [dreg:s9], $0x2FFFF;
	_ =	strace $0x9FFFFFFF  }
0xc6: {  	(tm) =	ssettm $0x7FFFFFFF  }
0xc7: {  	_ =	shalt  }
tec
execute0_lowered:
.L_overlay_start_1:
0x0: {  	(tag) =	ssettag $0x1  }
0x1: {  	s0 =	rddreg [dreg:$0x0]  }
0x2: {  	s6 =	rddreg [dreg:$0x1]  }
0x3: {  	s7 =	rddreg [dreg:$0x2]  }
0x4: {  	s1 =	rddreg [dreg:$0x3]  }
0x5: {  	s2 =	srdreg.scid;
	s5 =	simm.s32 $0x0;
	s8 =	stileid.u32  }
0x6: {  	s16 =	simm.s32 $0x80;
	s17 =	simm.s32 $0x1F4000;
	s2 =	sand.u32 $0x1, s2  }
0x7: {  	s4 =	sshll.u32 s8, $0x6;
	s3 =	ssub.s32 $0x2, s2;
	s2 =	sshll.u32 s2, $0x5  }
0x8: {  	[smem:$0x7FF] =	sst s5;
	s28 =	sadd.s32 $0x400, s7;
	s2 =	sor.u32 s2, s4  }
0x9: {  	_ =	strace $0x80000047;
	[dreg:$0xd] =	wrdreg s28;
	s4 =	sshrl.u32 s2, $0x3  }
0xa: {  	s24 =	sshrl.u32 s3, $0x1;
	s2 =	sshll.u32 s2, $0x8;
	s0 =	sadd.s32 s0, s4  }
0xb: {  	s3 =	ssub.s32 s3, s24;
	s26 =	sadd.s32 s7, s2;
	[dreg:$0x5] =	wrdreg s0  }
0xc: {  	s10 =	simm.s32 $0x200000;
	s30 =	smax.u32 s3, $0x1;
	[dreg:$0x7] =	wrdreg s26  }
0xd: {  	s25 =	sshll.u32 s8, $0x7;
	s31 =	sor.u32 $0x100, s2;
	[dreg:$0xb] =	wrdreg s30  }
.Ltmp0:
0xe: {  	s0 =	sadd.s32 s25, s1;
	[dreg:$0xc] =	wrdreg s31;
	(pc) =	sbr.rel .LBB2_1-.Ltmp0, $4  }
0xf: {  	s15 =	simm.s32 $0xF4A0;
	s1 =	sadd.s32 s2, s28;
	[dreg:$0x6] =	wrdreg s0  }
0x10: {  	s9 =	sadd.s32 $0x400, s6;
	s29 =	sadd.s32 $0x1870, s26;
	[dreg:$0x8] =	wrdreg s1  }
0x11: {  	s4 =	simm.s32 $0xECA0;
	[dreg:$0x9] =	wrdreg s29;
	s0 =	sadd.s32 $0x1C70, s26  }
0x12: {  	s25 =	simm.s32 $0xFCA0;
	s2 =	simm.s32 $0x0;
	[dreg:$0xa] =	wrdreg s0  }
.LBB2_6:
0x13: {  	s1 =	simm.s32 $0x2  }
0x14: {  	_ =	swait.ge [sflag:s1], $0xA000  }
0x15: {  	[sflag:s1] =	ssyncset.done $0x0  }
0x16: {  	s7 =	rddreg [dreg:$0x9];
	[sflag:s1] =	ssyncadd.s32 $0xFFFF6000  }
0x17: {  	[hbm4b:s7+s16] =	stream.strided.scatter [tilespmem:s0], [sflag:$0x4], $0x400, s10, s16, $0x38;
	[tilespmem:$0x180A0] =	vst v63  }
0x18: {  	s29 =	simm.s32 $0xC4A0;
	s28 =	sadd.s32 $0x80, s7  }
0x19: {  	[hbm4b:s28+s16] =	stream.strided.scatter [tilespmem:s29], [sflag:$0x4], $0x400, s10, s16, $0x38;
	[tilespmem:$0x180A0] =	vst v63  }
0x1a: {  	s31 =	simm.s32 $0xC8A0;
	s30 =	sadd.s32 $0x100, s7  }
0x1b: {  	[hbm4b:s30+s16] =	stream.strided.scatter [tilespmem:s31], [sflag:$0x4], $0x400, s10, s16, $0x38;
	[tilespmem:$0x180A0] =	vst v63  }
0x1c: {  	s3 =	simm.s32 $0xCCA0;
	s2 =	sadd.s32 $0x180, s7  }
0x1d: {  	[hbm4b:s2+s16] =	stream.strided.scatter [tilespmem:s3], [sflag:$0x4], $0x400, s10, s16, $0x38;
	[tilespmem:$0x180A0] =	vst v63  }
0x1e: {  	s6 =	simm.s32 $0xD0A0;
	s5 =	sadd.s32 $0x200, s7  }
0x1f: {  	[hbm4b:s5+s16] =	stream.strided.scatter [tilespmem:s6], [sflag:$0x4], $0x400, s10, s16, $0x38;
	[tilespmem:$0x180A0] =	vst v63  }
0x20: {  	s11 =	simm.s32 $0xD4A0;
	s8 =	sadd.s32 $0x280, s7  }
0x21: {  	[hbm4b:s8+s16] =	stream.strided.scatter [tilespmem:s11], [sflag:$0x4], $0x400, s10, s16, $0x38;
	[tilespmem:$0x180A0] =	vst v63  }
0x22: {  	s13 =	simm.s32 $0xD8A0;
	s12 =	sadd.s32 $0x300, s7  }
0x23: {  	[hbm4b:s12+s16] =	stream.strided.scatter [tilespmem:s13], [sflag:$0x4], $0x400, s10, s16, $0x38;
	[tilespmem:$0x180A0] =	vst v63  }
0x24: {  	s18 =	simm.s32 $0xDCA0;
	s14 =	sadd.s32 $0x380, s7  }
0x25: {  	[hbm4b:s14+s16] =	stream.strided.scatter [tilespmem:s18], [sflag:$0x4], $0x400, s10, s16, $0x38;
	[tilespmem:$0x180A0] =	vst v63  }
0x26: {  	s20 =	simm.s32 $0x100A0;
	s19 =	sadd.s32 $0x200000, s7  }
0x27: {  	[hbm4b:s19+s16] =	stream.strided.scatter [tilespmem:s20], [sflag:$0x4], $0x400, s10, s16, $0x38;
	[tilespmem:$0x180A0] =	vst v63  }
0x28: {  	s21 =	simm.s32 $0x104A0;
	s2 =	sadd.s32 $0x80, s19  }
0x29: {  	[hbm4b:s2+s16] =	stream.strided.scatter [tilespmem:s21], [sflag:$0x4], $0x400, s10, s16, $0x38;
	[tilespmem:$0x180A0] =	vst v63  }
0x2a: {  	s23 =	simm.s32 $0x108A0;
	s22 =	sadd.s32 $0x100, s19  }
0x2b: {  	[hbm4b:s22+s16] =	stream.strided.scatter [tilespmem:s23], [sflag:$0x4], $0x400, s10, s16, $0x38;
	[tilespmem:$0x180A0] =	vst v63  }
0x2c: {  	s26 =	simm.s32 $0x10CA0;
	s24 =	sadd.s32 $0x180, s19  }
0x2d: {  	[hbm4b:s24+s16] =	stream.strided.scatter [tilespmem:s26], [sflag:$0x4], $0x400, s10, s16, $0x38;
	[tilespmem:$0x180A0] =	vst v63  }
0x2e: {  	s28 =	sadd.s32 $0x200, s19;
	s29 =	simm.s32 $0x110A0  }
0x2f: {  	[hbm4b:s28+s16] =	stream.strided.scatter [tilespmem:s29], [sflag:$0x4], $0x400, s10, s16, $0x38;
	[tilespmem:$0x180A0] =	vst v63  }
0x30: {  	s30 =	sadd.s32 $0x280, s19;
	s31 =	simm.s32 $0x114A0  }
0x31: {  	[hbm4b:s30+s16] =	stream.strided.scatter [tilespmem:s31], [sflag:$0x4], $0x400, s10, s16, $0x38;
	[tilespmem:$0x180A0] =	vst v63  }
0x32: {  	s3 =	sadd.s32 $0x300, s19;
	s5 =	simm.s32 $0x118A0  }
0x33: {  	[hbm4b:s3+s16] =	stream.strided.scatter [tilespmem:s5], [sflag:$0x4], $0x400, s10, s16, $0x38;
	[tilespmem:$0x180A0] =	vst v63  }
0x34: {  	s1 =	sadd.s32 $0x380, s19;
	s6 =	simm.s32 $0x11CA0  }
0x35: {  	[hbm4b:s1+s16] =	stream.strided.scatter [tilespmem:s6], [sflag:$0x4], $0x400, s10, s16, $0x38;
	[tilespmem:$0x180A0] =	vst v63  }
0x36: {  	s7 =	sadd.s32 $0x400000, s7;
	s8 =	simm.s32 $0x140A0  }
0x37: {  	[hbm4b:s7+s16] =	stream.strided.scatter [tilespmem:s8], [sflag:$0x4], $0x200, s10, s16, $0x38;
	[tilespmem:$0x180A0] =	vst v63  }
0x38: {  	s11 =	sadd.s32 $0x80, s7;
	s12 =	simm.s32 $0x144A0  }
0x39: {  	[hbm4b:s11+s16] =	stream.strided.scatter [tilespmem:s12], [sflag:$0x4], $0x200, s10, s16, $0x38;
	[tilespmem:$0x180A0] =	vst v63  }
0x3a: {  	s13 =	sadd.s32 $0x100, s7;
	s14 =	simm.s32 $0x148A0  }
0x3b: {  	[hbm4b:s13+s16] =	stream.strided.scatter [tilespmem:s14], [sflag:$0x4], $0x200, s10, s16, $0x38;
	[tilespmem:$0x180A0] =	vst v63  }
0x3c: {  	s18 =	sadd.s32 $0x180, s7;
	s19 =	simm.s32 $0x14CA0  }
0x3d: {  	[hbm4b:s18+s16] =	stream.strided.scatter [tilespmem:s19], [sflag:$0x4], $0x200, s10, s16, $0x38;
	[tilespmem:$0x180A0] =	vst v63  }
0x3e: {  	s20 =	sadd.s32 $0x200, s7;
	s21 =	simm.s32 $0x150A0  }
0x3f: {  	[hbm4b:s20+s16] =	stream.strided.scatter [tilespmem:s21], [sflag:$0x4], $0x200, s10, s16, $0x38;
	[tilespmem:$0x180A0] =	vst v63  }
0x40: {  	s22 =	sadd.s32 $0x280, s7;
	s23 =	simm.s32 $0x154A0  }
0x41: {  	[hbm4b:s22+s16] =	stream.strided.scatter [tilespmem:s23], [sflag:$0x4], $0x200, s10, s16, $0x38;
	[tilespmem:$0x180A0] =	vst v63  }
0x42: {  	s24 =	sadd.s32 $0x300, s7;
	s26 =	simm.s32 $0x158A0  }
0x43: {  	[hbm4b:s24+s16] =	stream.strided.scatter [tilespmem:s26], [sflag:$0x4], $0x200, s10, s16, $0x38;
	[tilespmem:$0x180A0] =	vst v63  }
0x44: {  	s28 =	simm.s32 $0x15CA0;
	s1 =	sadd.s32 $0x380, s7  }
0x45: {  	[hbm4b:s1+s16] =	stream.strided.scatter [tilespmem:s28], [sflag:$0x4], $0x200, s10, s16, $0x38;
	[tilespmem:$0x180A0] =	vst v63  }
0x46: {  	s29 =	simm.s32 $0xE0A0;
	s7 =	rddreg [dreg:$0xa]  }
0x47: {  	[hbm4b:s7+s16] =	stream.strided.scatter [tilespmem:s29], [sflag:$0x4], $0x400, s10, s16, $0x38;
	[tilespmem:$0x180A0] =	vst v63  }
0x48: {  	s31 =	simm.s32 $0xE4A0;
	s30 =	sadd.s32 $0x80, s7  }
0x49: {  	[hbm4b:s30+s16] =	stream.strided.scatter [tilespmem:s31], [sflag:$0x4], $0x400, s10, s16, $0x38;
	[tilespmem:$0x180A0] =	vst v63  }
0x4a: {  	s3 =	simm.s32 $0xE8A0;
	s2 =	sadd.s32 $0x100, s7  }
0x4b: {  	[hbm4b:s2+s16] =	stream.strided.scatter [tilespmem:s3], [sflag:$0x4], $0x400, s10, s16, $0x38;
	[tilespmem:$0x180A0] =	vst v63  }
0x4c: {  	s5 =	sadd.s32 $0x180, s7  }
0x4d: {  	[hbm4b:s5+s16] =	stream.strided.scatter [tilespmem:s4], [sflag:$0x4], $0x400, s10, s16, $0x38;
	[tilespmem:$0x180A0] =	vst v63  }
0x4e: {  	s8 =	simm.s32 $0xF0A0;
	s6 =	sadd.s32 $0x200, s7  }
0x4f: {  	[hbm4b:s6+s16] =	stream.strided.scatter [tilespmem:s8], [sflag:$0x4], $0x400, s10, s16, $0x38;
	[tilespmem:$0x180A0] =	vst v63  }
0x50: {  	s11 =	sadd.s32 $0x280, s7  }
0x51: {  	[hbm4b:s11+s16] =	stream.strided.scatter [tilespmem:s15], [sflag:$0x4], $0x400, s10, s16, $0x38;
	[tilespmem:$0x180A0] =	vst v63  }
0x52: {  	s12 =	sadd.s32 $0x300, s7;
	s13 =	simm.s32 $0xF8A0  }
0x53: {  	[hbm4b:s12+s16] =	stream.strided.scatter [tilespmem:s13], [sflag:$0x4], $0x400, s10, s16, $0x38;
	[tilespmem:$0x180A0] =	vst v63  }
0x54: {  	s14 =	sadd.s32 $0x380, s7  }
0x55: {  	[hbm4b:s14+s16] =	stream.strided.scatter [tilespmem:s25], [sflag:$0x4], $0x400, s10, s16, $0x38;
	[tilespmem:$0x180A0] =	vst v63  }
0x56: {  	s18 =	sadd.s32 $0x200000, s7;
	s19 =	simm.s32 $0x120A0  }
0x57: {  	[hbm4b:s18+s16] =	stream.strided.scatter [tilespmem:s19], [sflag:$0x4], $0x400, s10, s16, $0x38;
	[tilespmem:$0x180A0] =	vst v63  }
0x58: {  	s20 =	sadd.s32 $0x80, s18;
	s21 =	simm.s32 $0x124A0  }
0x59: {  	[hbm4b:s20+s16] =	stream.strided.scatter [tilespmem:s21], [sflag:$0x4], $0x400, s10, s16, $0x38;
	[tilespmem:$0x180A0] =	vst v63  }
0x5a: {  	s22 =	sadd.s32 $0x100, s18;
	s23 =	simm.s32 $0x128A0  }
0x5b: {  	[hbm4b:s22+s16] =	stream.strided.scatter [tilespmem:s23], [sflag:$0x4], $0x400, s10, s16, $0x38;
	[tilespmem:$0x180A0] =	vst v63  }
0x5c: {  	s24 =	sadd.s32 $0x180, s18;
	s26 =	simm.s32 $0x12CA0  }
0x5d: {  	[hbm4b:s24+s16] =	stream.strided.scatter [tilespmem:s26], [sflag:$0x4], $0x400, s10, s16, $0x38;
	[tilespmem:$0x180A0] =	vst v63  }
0x5e: {  	s28 =	sadd.s32 $0x200, s18;
	s29 =	simm.s32 $0x130A0  }
0x5f: {  	[hbm4b:s28+s16] =	stream.strided.scatter [tilespmem:s29], [sflag:$0x4], $0x400, s10, s16, $0x38;
	[tilespmem:$0x180A0] =	vst v63  }
0x60: {  	s30 =	sadd.s32 $0x280, s18;
	s31 =	simm.s32 $0x134A0  }
0x61: {  	[hbm4b:s30+s16] =	stream.strided.scatter [tilespmem:s31], [sflag:$0x4], $0x400, s10, s16, $0x38;
	[tilespmem:$0x180A0] =	vst v63  }
0x62: {  	s0 =	sadd.s32 $0x300, s18;
	s3 =	simm.s32 $0x138A0  }
0x63: {  	[hbm4b:s0+s16] =	stream.strided.scatter [tilespmem:s3], [sflag:$0x4], $0x400, s10, s16, $0x38;
	[tilespmem:$0x180A0] =	vst v63  }
0x64: {  	s1 =	sadd.s32 $0x380, s18;
	s5 =	simm.s32 $0x13CA0  }
0x65: {  	[hbm4b:s1+s16] =	stream.strided.scatter [tilespmem:s5], [sflag:$0x4], $0x400, s10, s16, $0x38;
	[tilespmem:$0x180A0] =	vst v63  }
0x66: {  	s6 =	sadd.s32 $0x400000, s7;
	s7 =	simm.s32 $0x160A0  }
0x67: {  	[hbm4b:s6+s16] =	stream.strided.scatter [tilespmem:s7], [sflag:$0x4], $0x200, s10, s16, $0x38;
	[tilespmem:$0x180A0] =	vst v63  }
0x68: {  	s8 =	sadd.s32 $0x80, s6;
	s11 =	simm.s32 $0x164A0  }
0x69: {  	[hbm4b:s8+s16] =	stream.strided.scatter [tilespmem:s11], [sflag:$0x4], $0x200, s10, s16, $0x38;
	[tilespmem:$0x180A0] =	vst v63  }
0x6a: {  	s12 =	sadd.s32 $0x100, s6;
	s13 =	simm.s32 $0x168A0  }
0x6b: {  	[hbm4b:s12+s16] =	stream.strided.scatter [tilespmem:s13], [sflag:$0x4], $0x200, s10, s16, $0x38;
	[tilespmem:$0x180A0] =	vst v63  }
0x6c: {  	s14 =	sadd.s32 $0x180, s6;
	s18 =	simm.s32 $0x16CA0  }
0x6d: {  	[hbm4b:s14+s16] =	stream.strided.scatter [tilespmem:s18], [sflag:$0x4], $0x200, s10, s16, $0x38;
	[tilespmem:$0x180A0] =	vst v63  }
0x6e: {  	s19 =	sadd.s32 $0x200, s6;
	s20 =	simm.s32 $0x170A0  }
0x6f: {  	[hbm4b:s19+s16] =	stream.strided.scatter [tilespmem:s20], [sflag:$0x4], $0x200, s10, s16, $0x38;
	[tilespmem:$0x180A0] =	vst v63  }
0x70: {  	s21 =	sadd.s32 $0x280, s6;
	s22 =	simm.s32 $0x174A0  }
0x71: {  	[hbm4b:s21+s16] =	stream.strided.scatter [tilespmem:s22], [sflag:$0x4], $0x200, s10, s16, $0x38;
	[tilespmem:$0x180A0] =	vst v63  }
0x72: {  	s23 =	sadd.s32 $0x300, s6;
	s24 =	simm.s32 $0x178A0  }
0x73: {  	[hbm4b:s23+s16] =	stream.strided.scatter [tilespmem:s24], [sflag:$0x4], $0x200, s10, s16, $0x38;
	[tilespmem:$0x180A0] =	vst v63  }
0x74: {  	s26 =	simm.s32 $0x17CA0;
	s28 =	simm.s32 $0x3;
	s1 =	sadd.s32 $0x380, s6  }
0x75: {  	[hbm4b:s1+s16] =	stream.strided.scatter [tilespmem:s26], [sflag:$0x4], $0x200, s10, s16, $0x38;
	[tilespmem:$0x180A0] =	vst v63  }
0x76: {  	_ =	swait.ge [sflag:s28], $0xA000  }
0x77: {  	[sflag:s28] =	ssyncset.done $0x0  }
0x78: {  	s29 =	simm.s32 $0x4;
	[sflag:s28] =	ssyncadd.s32 $0xFFFF6000  }
0x79: {  	_ =	swait.ge [sflag:s29], $0xA000  }
0x7a: {  	s30 =	rddreg [dreg:$0xe]  }
0x7b: {  	s31 =	rddreg [dreg:$0xb];
	s2 =	sadd.s32 $0x1, s30  }
0x7c: {  	p0 =	sne.s32 s2, s31  }
.Ltmp1:
0x7d: {  	_ = 	snop;
	(pc) =	sbr.rel @!p0 .LBB2_7-.Ltmp1, $3  }
0x7e: {  	_ =	sdelay $0x1  }
0x7f: {  	[sflag:s29] =	ssyncset.done $0x0  }
0x80: {  	[sflag:s29] =	ssyncadd.s32 $0xFFFF6000  }
.LBB2_1:
0x81: {  	[dreg:$0xe] =	wrdreg s2  }
0x82: {  	s1 =	simm.s32 $0x0;
	s11 =	rddreg [dreg:$0x5];
	s7 =	simm.s32 $0x5  }
0x83: {  	[tilespmem:s1], [sflag:$0x5] =	stream.linear.gather [hbm4b:s11+s1], $0x20, $0x38;
	[tilespmem:$0x180A0] =	vst v63  }
0x84: {  	_ =	swait.ge [sflag:s7], $0x20  }
0x85: {  	[sflag:s7] =	ssyncset.done $0x0  }
0x86: {  	s12 =	rddreg [dreg:$0x6];
	[sflag:s7] =	ssyncadd.s32 $0xFFFFFFE0  }
0x87: {  	[spmem:s12] =	stream.linear.scatter [tilespmem:s1], [sflag:$0x5], $0x80, $0x38;
	[tilespmem:$0x180A0] =	vst v63  }
0x88: {  	_ =	swait.ge [sflag:s7], $0x80  }
0x89: {  	[sflag:s7] =	ssyncset.done $0x0  }
0x8a: {  	[sflag:s7] =	ssyncadd.s32 $0xFFFFFF80  }
0x8b: {  	[smem:s1], [sflag:$0x5] =	stream.linear.gather [spmem:s12], $0x80, $0x38;
	[tilespmem:$0x180A0] =	vst v63  }
0x8c: {  	_ =	swait.ge [sflag:s7], $0x80  }
0x8d: {  	[sflag:s7] =	ssyncset.done $0x0  }
0x8e: {  	[sflag:s7] =	ssyncadd.s32 $0xFFFFFF80  }
0x8f: {  	s13 =	sld [smem:$0x0];
	_ =	sdelay $0x2  }
0x90: {  	s14 =	sshll.u32 s13, $0xB;
	s1 =	sshll.u32 s13, $0x7  }
0x91: {  	s2 =	sand.u32 $0xFFFFC000, s14;
	s1 =	sand.u32 $0x380, s1  }
0x92: {  	s1 =	sor.u32 s1, s2  }
0x93: {  	s12 =	rddreg [dreg:$0x1];
	s1 =	sshrl.u32 s1, $0x3  }
0x94: {  	s6 =	simm.s32 $0xA0;
	s2 =	sadd.s32 s12, s1  }
0x95: {  	[tilespmem:s6], [sflag:$0x1] =	stream.strided.gather [hbm4b:s2+s16], $0x400, s17, s16, $0x38;
	[tilespmem:$0x180A0] =	vst v63  }
0x96: {  	s21 =	simm.s32 $0x4A0;
	s18 =	sadd.s32 $0x80, s2  }
0x97: {  	[tilespmem:s21], [sflag:$0x1] =	stream.strided.gather [hbm4b:s18+s16], $0x400, s17, s16, $0x38;
	[tilespmem:$0x180A0] =	vst v63  }
0x98: {  	s22 =	simm.s32 $0x8A0;
	s19 =	sadd.s32 $0x100, s2  }
0x99: {  	[tilespmem:s22], [sflag:$0x1] =	stream.strided.gather [hbm4b:s19+s16], $0x400, s17, s16, $0x38;
	[tilespmem:$0x180A0] =	vst v63  }
0x9a: {  	s5 =	simm.s32 $0xCA0;
	s20 =	sadd.s32 $0x180, s2  }
0x9b: {  	[tilespmem:s5], [sflag:$0x1] =	stream.strided.gather [hbm4b:s20+s16], $0x400, s17, s16, $0x38;
	[tilespmem:$0x180A0] =	vst v63  }
0x9c: {  	s0 =	simm.s32 $0x10A0;
	s23 =	sadd.s32 $0x200, s2  }
0x9d: {  	[tilespmem:s0], [sflag:$0x1] =	stream.strided.gather [hbm4b:s23+s16], $0x400, s17, s16, $0x38;
	[tilespmem:$0x180A0] =	vst v63  }
0x9e: {  	s26 =	simm.s32 $0x14A0;
	s24 =	sadd.s32 $0x280, s2  }
0x9f: {  	[tilespmem:s26], [sflag:$0x1] =	stream.strided.gather [hbm4b:s24+s16], $0x400, s17, s16, $0x38;
	[tilespmem:$0x180A0] =	vst v63  }
0xa0: {  	s8 =	simm.s32 $0x18A0;
	s3 =	sadd.s32 $0x300, s2  }
0xa1: {  	[tilespmem:s8], [sflag:$0x1] =	stream.strided.gather [hbm4b:s3+s16], $0x400, s17, s16, $0x38;
	[tilespmem:$0x180A0] =	vst v63  }
0xa2: {  	s12 =	simm.s32 $0x1CA0;
	s11 =	sadd.s32 $0x380, s2  }
0xa3: {  	[tilespmem:s12], [sflag:$0x1] =	stream.strided.gather [hbm4b:s11+s16], $0x400, s17, s16, $0x38;
	[tilespmem:$0x180A0] =	vst v63  }
0xa4: {  	s13 =	simm.s32 $0x40A0;
	s7 =	sadd.s32 $0x1F4000, s2  }
0xa5: {  	[tilespmem:s13], [sflag:$0x1] =	stream.strided.gather [hbm4b:s7+s16], $0x400, s17, s16, $0x38;
	[tilespmem:$0x180A0] =	vst v63  }
0xa6: {  	s14 =	simm.s32 $0x44A0;
	s11 =	sadd.s32 $0x80, s7  }
0xa7: {  	[tilespmem:s14], [sflag:$0x1] =	stream.strided.gather [hbm4b:s11+s16], $0x400, s17, s16, $0x38;
	[tilespmem:$0x180A0] =	vst v63  }
0xa8: {  	s18 =	sadd.s32 $0x100, s7;
	s19 =	simm.s32 $0x48A0  }
0xa9: {  	[tilespmem:s19], [sflag:$0x1] =	stream.strided.gather [hbm4b:s18+s16], $0x400, s17, s16, $0x38;
	[tilespmem:$0x180A0] =	vst v63  }
0xaa: {  	s20 =	sadd.s32 $0x180, s7;
	s23 =	simm.s32 $0x4CA0  }
0xab: {  	[tilespmem:s23], [sflag:$0x1] =	stream.strided.gather [hbm4b:s20+s16], $0x400, s17, s16, $0x38;
	[tilespmem:$0x180A0] =	vst v63  }
0xac: {  	s24 =	sadd.s32 $0x200, s7;
	s26 =	simm.s32 $0x50A0  }
0xad: {  	[tilespmem:s26], [sflag:$0x1] =	stream.strided.gather [hbm4b:s24+s16], $0x400, s17, s16, $0x38;
	[tilespmem:$0x180A0] =	vst v63  }
0xae: {  	s3 =	sadd.s32 $0x280, s7;
	s8 =	simm.s32 $0x54A0  }
0xaf: {  	[tilespmem:s8], [sflag:$0x1] =	stream.strided.gather [hbm4b:s3+s16], $0x400, s17, s16, $0x38;
	[tilespmem:$0x180A0] =	vst v63  }
0xb0: {  	s12 =	sadd.s32 $0x300, s7;
	s13 =	simm.s32 $0x58A0  }
0xb1: {  	[tilespmem:s13], [sflag:$0x1] =	stream.strided.gather [hbm4b:s12+s16], $0x400, s17, s16, $0x38;
	[tilespmem:$0x180A0] =	vst v63  }
0xb2: {  	s7 =	sadd.s32 $0x380, s7;
	s3 =	simm.s32 $0x5CA0  }
0xb3: {  	[tilespmem:s3], [sflag:$0x1] =	stream.strided.gather [hbm4b:s7+s16], $0x400, s17, s16, $0x38;
	[tilespmem:$0x180A0] =	vst v63  }
0xb4: {  	s2 =	sadd.s32 $0x3E8000, s2;
	s14 =	simm.s32 $0x80A0  }
0xb5: {  	[tilespmem:s14], [sflag:$0x1] =	stream.strided.gather [hbm4b:s2+s16], $0x200, s17, s16, $0x38;
	[tilespmem:$0x180A0] =	vst v63  }
0xb6: {  	s18 =	sadd.s32 $0x80, s2;
	s19 =	simm.s32 $0x84A0  }
0xb7: {  	[tilespmem:s19], [sflag:$0x1] =	stream.strided.gather [hbm4b:s18+s16], $0x200, s17, s16, $0x38;
	[tilespmem:$0x180A0] =	vst v63  }
0xb8: {  	s20 =	sadd.s32 $0x100, s2;
	s23 =	simm.s32 $0x88A0  }
0xb9: {  	[tilespmem:s23], [sflag:$0x1] =	stream.strided.gather [hbm4b:s20+s16], $0x200, s17, s16, $0x38;
	[tilespmem:$0x180A0] =	vst v63  }
0xba: {  	s24 =	sadd.s32 $0x180, s2;
	s26 =	simm.s32 $0x8CA0  }
0xbb: {  	[tilespmem:s26], [sflag:$0x1] =	stream.strided.gather [hbm4b:s24+s16], $0x200, s17, s16, $0x38;
	[tilespmem:$0x180A0] =	vst v63  }
0xbc: {  	s0 =	sadd.s32 $0x200, s2;
	s8 =	simm.s32 $0x90A0  }
0xbd: {  	[tilespmem:s8], [sflag:$0x1] =	stream.strided.gather [hbm4b:s0+s16], $0x200, s17, s16, $0x38;
	[tilespmem:$0x180A0] =	vst v63  }
0xbe: {  	s11 =	sadd.s32 $0x280, s2;
	s12 =	simm.s32 $0x94A0  }
0xbf: {  	[tilespmem:s12], [sflag:$0x1] =	stream.strided.gather [hbm4b:s11+s16], $0x200, s17, s16, $0x38;
	[tilespmem:$0x180A0] =	vst v63  }
0xc0: {  	s13 =	sadd.s32 $0x300, s2;
	s14 =	simm.s32 $0x98A0  }
0xc1: {  	[tilespmem:s14], [sflag:$0x1] =	stream.strided.gather [hbm4b:s13+s16], $0x200, s17, s16, $0x38;
	[tilespmem:$0x180A0] =	vst v63  }
0xc2: {  	s2 =	sadd.s32 $0x380, s2;
	s18 =	simm.s32 $0x9CA0  }
0xc3: {  	[tilespmem:s18], [sflag:$0x1] =	stream.strided.gather [hbm4b:s2+s16], $0x200, s17, s16, $0x38;
	[tilespmem:$0x180A0] =	vst v63  }
0xc4: {  	s1 =	sadd.s32 s1, s9;
	s0 =	simm.s32 $0x20A0  }
0xc5: {  	[tilespmem:s0], [sflag:$0x1] =	stream.strided.gather [hbm4b:s1+s16], $0x400, s17, s16, $0x38;
	[tilespmem:$0x180A0] =	vst v63  }
0xc6: {  	s19 =	sadd.s32 $0x80, s1;
	s11 =	simm.s32 $0x24A0  }
0xc7: {  	[tilespmem:s11], [sflag:$0x1] =	stream.strided.gather [hbm4b:s19+s16], $0x400, s17, s16, $0x38;
	[tilespmem:$0x180A0] =	vst v63  }
0xc8: {  	s20 =	sadd.s32 $0x100, s1;
	s12 =	simm.s32 $0x28A0  }
0xc9: {  	[tilespmem:s12], [sflag:$0x1] =	stream.strided.gather [hbm4b:s20+s16], $0x400, s17, s16, $0x38;
	[tilespmem:$0x180A0] =	vst v63  }
0xca: {  	s23 =	sadd.s32 $0x180, s1;
	s18 =	simm.s32 $0x2CA0  }
0xcb: {  	[tilespmem:s18], [sflag:$0x1] =	stream.strided.gather [hbm4b:s23+s16], $0x400, s17, s16, $0x38;
	[tilespmem:$0x180A0] =	vst v63  }
0xcc: {  	s24 =	sadd.s32 $0x200, s1;
	s19 =	simm.s32 $0x30A0  }
0xcd: {  	[tilespmem:s19], [sflag:$0x1] =	stream.strided.gather [hbm4b:s24+s16], $0x400, s17, s16, $0x38;
	[tilespmem:$0x180A0] =	vst v63  }
0xce: {  	s26 =	sadd.s32 $0x280, s1;
	s20 =	simm.s32 $0x34A0  }
0xcf: {  	[tilespmem:s20], [sflag:$0x1] =	stream.strided.gather [hbm4b:s26+s16], $0x400, s17, s16, $0x38;
	[tilespmem:$0x180A0] =	vst v63  }
0xd0: {  	s7 =	sadd.s32 $0x300, s1;
	s8 =	simm.s32 $0x38A0  }
0xd1: {  	[tilespmem:s8], [sflag:$0x1] =	stream.strided.gather [hbm4b:s7+s16], $0x400, s17, s16, $0x38;
	[tilespmem:$0x180A0] =	vst v63  }
0xd2: {  	s13 =	sadd.s32 $0x380, s1;
	s14 =	simm.s32 $0x3CA0  }
0xd3: {  	[tilespmem:s14], [sflag:$0x1] =	stream.strided.gather [hbm4b:s13+s16], $0x400, s17, s16, $0x38;
	[tilespmem:$0x180A0] =	vst v63  }
0xd4: {  	s2 =	sadd.s32 $0x1F4000, s1;
	s23 =	simm.s32 $0x60A0  }
0xd5: {  	[tilespmem:s23], [sflag:$0x1] =	stream.strided.gather [hbm4b:s2+s16], $0x400, s17, s16, $0x38;
	[tilespmem:$0x180A0] =	vst v63  }
0xd6: {  	s24 =	sadd.s32 $0x80, s2;
	s23 =	simm.s32 $0x64A0  }
0xd7: {  	[tilespmem:s23], [sflag:$0x1] =	stream.strided.gather [hbm4b:s24+s16], $0x400, s17, s16, $0x38;
	[tilespmem:$0x180A0] =	vst v63  }
0xd8: {  	s26 =	sadd.s32 $0x100, s2;
	s24 =	simm.s32 $0x68A0  }
0xd9: {  	[tilespmem:s24], [sflag:$0x1] =	stream.strided.gather [hbm4b:s26+s16], $0x400, s17, s16, $0x38;
	[tilespmem:$0x180A0] =	vst v63  }
0xda: {  	s7 =	sadd.s32 $0x180, s2;
	s26 =	simm.s32 $0x6CA0  }
0xdb: {  	[tilespmem:s26], [sflag:$0x1] =	stream.strided.gather [hbm4b:s7+s16], $0x400, s17, s16, $0x38;
	[tilespmem:$0x180A0] =	vst v63  }
0xdc: {  	s28 =	simm.s32 $0x70A0;
	s7 =	sadd.s32 $0x200, s2  }
0xdd: {  	[tilespmem:s28], [sflag:$0x1] =	stream.strided.gather [hbm4b:s7+s16], $0x400, s17, s16, $0x38;
	[tilespmem:$0x180A0] =	vst v63  }
0xde: {  	s29 =	simm.s32 $0x74A0;
	s7 =	sadd.s32 $0x280, s2  }
0xdf: {  	[tilespmem:s29], [sflag:$0x1] =	stream.strided.gather [hbm4b:s7+s16], $0x400, s17, s16, $0x38;
	[tilespmem:$0x180A0] =	vst v63  }
0xe0: {  	s30 =	simm.s32 $0x78A0;
	s7 =	sadd.s32 $0x300, s2  }
0xe1: {  	[tilespmem:s30], [sflag:$0x1] =	stream.strided.gather [hbm4b:s7+s16], $0x400, s17, s16, $0x38;
	[tilespmem:$0x180A0] =	vst v63  }
0xe2: {  	s2 =	sadd.s32 $0x380, s2;
	s7 =	simm.s32 $0x7CA0  }
0xe3: {  	[tilespmem:s7], [sflag:$0x1] =	stream.strided.gather [hbm4b:s2+s16], $0x400, s17, s16, $0x38;
	[tilespmem:$0x180A0] =	vst v63  }
0xe4: {  	s1 =	sadd.s32 $0x3E8000, s1;
	s7 =	simm.s32 $0xA0A0  }
0xe5: {  	[tilespmem:s7], [sflag:$0x1] =	stream.strided.gather [hbm4b:s1+s16], $0x200, s17, s16, $0x38;
	[tilespmem:$0x180A0] =	vst v63  }
0xe6: {  	s2 =	sadd.s32 $0x80, s1;
	s7 =	simm.s32 $0xA4A0  }
0xe7: {  	[tilespmem:s7], [sflag:$0x1] =	stream.strided.gather [hbm4b:s2+s16], $0x200, s17, s16, $0x38;
	[tilespmem:$0x180A0] =	vst v63  }
0xe8: {  	s2 =	sadd.s32 $0x100, s1;
	s7 =	simm.s32 $0xA8A0  }
0xe9: {  	[tilespmem:s7], [sflag:$0x1] =	stream.strided.gather [hbm4b:s2+s16], $0x200, s17, s16, $0x38;
	[tilespmem:$0x180A0] =	vst v63  }
0xea: {  	s2 =	sadd.s32 $0x180, s1;
	s7 =	simm.s32 $0xACA0  }
0xeb: {  	[tilespmem:s7], [sflag:$0x1] =	stream.strided.gather [hbm4b:s2+s16], $0x200, s17, s16, $0x38;
	[tilespmem:$0x180A0] =	vst v63  }
0xec: {  	s2 =	sadd.s32 $0x200, s1;
	s7 =	simm.s32 $0xB0A0  }
0xed: {  	[tilespmem:s7], [sflag:$0x1] =	stream.strided.gather [hbm4b:s2+s16], $0x200, s17, s16, $0x38;
	[tilespmem:$0x180A0] =	vst v63  }
0xee: {  	s2 =	sadd.s32 $0x280, s1;
	s7 =	simm.s32 $0xB4A0  }
0xef: {  	[tilespmem:s7], [sflag:$0x1] =	stream.strided.gather [hbm4b:s2+s16], $0x200, s17, s16, $0x38;
	[tilespmem:$0x180A0] =	vst v63  }
0xf0: {  	s2 =	sadd.s32 $0x300, s1;
	s7 =	simm.s32 $0xB8A0  }
0xf1: {  	[tilespmem:s7], [sflag:$0x1] =	stream.strided.gather [hbm4b:s2+s16], $0x200, s17, s16, $0x38;
	[tilespmem:$0x180A0] =	vst v63  }
0xf2: {  	s1 =	sadd.s32 $0x380, s1;
	s7 =	simm.s32 $0xBCA0;
	s2 =	simm.s32 $0x1  }
0xf3: {  	[tilespmem:s7], [sflag:$0x1] =	stream.strided.gather [hbm4b:s1+s16], $0x200, s17, s16, $0x38;
	[tilespmem:$0x180A0] =	vst v63  }
0xf4: {  	_ =	swait.ge [sflag:s2], $0xA000  }
0xf5: {  	[sflag:s2] =	ssyncset.done $0x0  }
0xf6: {  	s7 =	rddreg [dreg:$0x7];
	[sflag:s2] =	ssyncadd.s32 $0xFFFF6000  }
0xf7: {  	[hbm4b:s7+s16] =	stream.strided.scatter [tilespmem:s6], [sflag:$0x3], $0x400, s10, s16, $0x38;
	[tilespmem:$0x180A0] =	vst v63  }
0xf8: {  	s6 =	sadd.s32 $0x80, s7  }
0xf9: {  	[hbm4b:s6+s16] =	stream.strided.scatter [tilespmem:s21], [sflag:$0x3], $0x400, s10, s16, $0x38;
	[tilespmem:$0x180A0] =	vst v63  }
0xfa: {  	s2 =	sadd.s32 $0x100, s7  }
0xfb: {  	[hbm4b:s2+s16] =	stream.strided.scatter [tilespmem:s22], [sflag:$0x3], $0x400, s10, s16, $0x38;
	[tilespmem:$0x180A0] =	vst v63  }
0xfc: {  	s6 =	sadd.s32 $0x180, s7  }
0xfd: {  	[hbm4b:s6+s16] =	stream.strided.scatter [tilespmem:s5], [sflag:$0x3], $0x400, s10, s16, $0x38;
	[tilespmem:$0x180A0] =	vst v63  }
0xfe: {  	s21 =	sadd.s32 $0x200, s7;
	s22 =	simm.s32 $0x10A0  }
0xff: {  	[hbm4b:s21+s16] =	stream.strided.scatter [tilespmem:s22], [sflag:$0x3], $0x400, s10, s16, $0x38;
	[tilespmem:$0x180A0] =	vst v63  }
0x100: {  	s5 =	sadd.s32 $0x280, s7;
	s6 =	simm.s32 $0x14A0  }
0x101: {  	[hbm4b:s5+s16] =	stream.strided.scatter [tilespmem:s6], [sflag:$0x3], $0x400, s10, s16, $0x38;
	[tilespmem:$0x180A0] =	vst v63  }
0x102: {  	s21 =	sadd.s32 $0x300, s7;
	s22 =	simm.s32 $0x18A0  }
0x103: {  	[hbm4b:s21+s16] =	stream.strided.scatter [tilespmem:s22], [sflag:$0x3], $0x400, s10, s16, $0x38;
	[tilespmem:$0x180A0] =	vst v63  }
0x104: {  	s2 =	sadd.s32 $0x380, s7;
	s5 =	simm.s32 $0x1CA0  }
0x105: {  	[hbm4b:s2+s16] =	stream.strided.scatter [tilespmem:s5], [sflag:$0x3], $0x400, s10, s16, $0x38;
	[tilespmem:$0x180A0] =	vst v63  }
0x106: {  	s1 =	sadd.s32 $0x200000, s7;
	s6 =	simm.s32 $0x40A0  }
0x107: {  	[hbm4b:s1+s16] =	stream.strided.scatter [tilespmem:s6], [sflag:$0x3], $0x400, s10, s16, $0x38;
	[tilespmem:$0x180A0] =	vst v63  }
0x108: {  	s21 =	sadd.s32 $0x80, s1;
	s22 =	simm.s32 $0x44A0  }
0x109: {  	[hbm4b:s21+s16] =	stream.strided.scatter [tilespmem:s22], [sflag:$0x3], $0x400, s10, s16, $0x38;
	[tilespmem:$0x180A0] =	vst v63  }
0x10a: {  	s5 =	sadd.s32 $0x100, s1;
	s6 =	simm.s32 $0x48A0  }
0x10b: {  	[hbm4b:s5+s16] =	stream.strided.scatter [tilespmem:s6], [sflag:$0x3], $0x400, s10, s16, $0x38;
	[tilespmem:$0x180A0] =	vst v63  }
0x10c: {  	s21 =	sadd.s32 $0x180, s1;
	s22 =	simm.s32 $0x4CA0  }
0x10d: {  	[hbm4b:s21+s16] =	stream.strided.scatter [tilespmem:s22], [sflag:$0x3], $0x400, s10, s16, $0x38;
	[tilespmem:$0x180A0] =	vst v63  }
0x10e: {  	s5 =	sadd.s32 $0x200, s1;
	s6 =	simm.s32 $0x50A0  }
0x10f: {  	[hbm4b:s5+s16] =	stream.strided.scatter [tilespmem:s6], [sflag:$0x3], $0x400, s10, s16, $0x38;
	[tilespmem:$0x180A0] =	vst v63  }
0x110: {  	s21 =	sadd.s32 $0x280, s1;
	s22 =	simm.s32 $0x54A0  }
0x111: {  	[hbm4b:s21+s16] =	stream.strided.scatter [tilespmem:s22], [sflag:$0x3], $0x400, s10, s16, $0x38;
	[tilespmem:$0x180A0] =	vst v63  }
0x112: {  	s5 =	sadd.s32 $0x300, s1;
	s6 =	simm.s32 $0x58A0  }
0x113: {  	[hbm4b:s5+s16] =	stream.strided.scatter [tilespmem:s6], [sflag:$0x3], $0x400, s10, s16, $0x38;
	[tilespmem:$0x180A0] =	vst v63  }
0x114: {  	s1 =	sadd.s32 $0x380, s1  }
0x115: {  	[hbm4b:s1+s16] =	stream.strided.scatter [tilespmem:s3], [sflag:$0x3], $0x400, s10, s16, $0x38;
	[tilespmem:$0x180A0] =	vst v63  }
0x116: {  	s1 =	sadd.s32 $0x400000, s7;
	s7 =	simm.s32 $0x80A0  }
0x117: {  	[hbm4b:s1+s16] =	stream.strided.scatter [tilespmem:s7], [sflag:$0x3], $0x200, s10, s16, $0x38;
	[tilespmem:$0x180A0] =	vst v63  }
0x118: {  	s22 =	simm.s32 $0x84A0;
	s21 =	sadd.s32 $0x80, s1  }
0x119: {  	[hbm4b:s21+s16] =	stream.strided.scatter [tilespmem:s22], [sflag:$0x3], $0x200, s10, s16, $0x38;
	[tilespmem:$0x180A0] =	vst v63  }
0x11a: {  	s5 =	simm.s32 $0x88A0;
	s3 =	sadd.s32 $0x100, s1  }
0x11b: {  	[hbm4b:s3+s16] =	stream.strided.scatter [tilespmem:s5], [sflag:$0x3], $0x200, s10, s16, $0x38;
	[tilespmem:$0x180A0] =	vst v63  }
0x11c: {  	s6 =	sadd.s32 $0x180, s1;
	s7 =	simm.s32 $0x8CA0  }
0x11d: {  	[hbm4b:s6+s16] =	stream.strided.scatter [tilespmem:s7], [sflag:$0x3], $0x200, s10, s16, $0x38;
	[tilespmem:$0x180A0] =	vst v63  }
0x11e: {  	s21 =	sadd.s32 $0x200, s1;
	s22 =	simm.s32 $0x90A0  }
0x11f: {  	[hbm4b:s21+s16] =	stream.strided.scatter [tilespmem:s22], [sflag:$0x3], $0x200, s10, s16, $0x38;
	[tilespmem:$0x180A0] =	vst v63  }
0x120: {  	s3 =	sadd.s32 $0x280, s1;
	s5 =	simm.s32 $0x94A0  }
0x121: {  	[hbm4b:s3+s16] =	stream.strided.scatter [tilespmem:s5], [sflag:$0x3], $0x200, s10, s16, $0x38;
	[tilespmem:$0x180A0] =	vst v63  }
0x122: {  	s6 =	sadd.s32 $0x300, s1;
	s7 =	simm.s32 $0x98A0  }
0x123: {  	[hbm4b:s6+s16] =	stream.strided.scatter [tilespmem:s7], [sflag:$0x3], $0x200, s10, s16, $0x38;
	[tilespmem:$0x180A0] =	vst v63  }
0x124: {  	s1 =	sadd.s32 $0x380, s1;
	s21 =	simm.s32 $0x9CA0  }
0x125: {  	[hbm4b:s1+s16] =	stream.strided.scatter [tilespmem:s21], [sflag:$0x3], $0x200, s10, s16, $0x38;
	[tilespmem:$0x180A0] =	vst v63  }
0x126: {  	s7 =	rddreg [dreg:$0x8]  }
0x127: {  	[hbm4b:s7+s16] =	stream.strided.scatter [tilespmem:s0], [sflag:$0x3], $0x400, s10, s16, $0x38;
	[tilespmem:$0x180A0] =	vst v63  }
0x128: {  	s22 =	sadd.s32 $0x80, s7  }
0x129: {  	[hbm4b:s22+s16] =	stream.strided.scatter [tilespmem:s11], [sflag:$0x3], $0x400, s10, s16, $0x38;
	[tilespmem:$0x180A0] =	vst v63  }
0x12a: {  	s2 =	sadd.s32 $0x100, s7  }
0x12b: {  	[hbm4b:s2+s16] =	stream.strided.scatter [tilespmem:s12], [sflag:$0x3], $0x400, s10, s16, $0x38;
	[tilespmem:$0x180A0] =	vst v63  }
0x12c: {  	s3 =	sadd.s32 $0x180, s7  }
0x12d: {  	[hbm4b:s3+s16] =	stream.strided.scatter [tilespmem:s18], [sflag:$0x3], $0x400, s10, s16, $0x38;
	[tilespmem:$0x180A0] =	vst v63  }
0x12e: {  	s5 =	sadd.s32 $0x200, s7  }
0x12f: {  	[hbm4b:s5+s16] =	stream.strided.scatter [tilespmem:s19], [sflag:$0x3], $0x400, s10, s16, $0x38;
	[tilespmem:$0x180A0] =	vst v63  }
0x130: {  	s6 =	sadd.s32 $0x280, s7  }
0x131: {  	[hbm4b:s6+s16] =	stream.strided.scatter [tilespmem:s20], [sflag:$0x3], $0x400, s10, s16, $0x38;
	[tilespmem:$0x180A0] =	vst v63  }
0x132: {  	s8 =	simm.s32 $0x38A0;
	s11 =	sadd.s32 $0x300, s7  }
0x133: {  	[hbm4b:s11+s16] =	stream.strided.scatter [tilespmem:s8], [sflag:$0x3], $0x400, s10, s16, $0x38;
	[tilespmem:$0x180A0] =	vst v63  }
0x134: {  	s13 =	simm.s32 $0x3CA0;
	s12 =	sadd.s32 $0x380, s7  }
0x135: {  	[hbm4b:s12+s16] =	stream.strided.scatter [tilespmem:s13], [sflag:$0x3], $0x400, s10, s16, $0x38;
	[tilespmem:$0x180A0] =	vst v63  }
0x136: {  	s14 =	simm.s32 $0x60A0;
	s18 =	sadd.s32 $0x200000, s7  }
0x137: {  	[hbm4b:s18+s16] =	stream.strided.scatter [tilespmem:s14], [sflag:$0x3], $0x400, s10, s16, $0x38;
	[tilespmem:$0x180A0] =	vst v63  }
0x138: {  	s23 =	simm.s32 $0x64A0;
	s19 =	sadd.s32 $0x80, s18  }
0x139: {  	[hbm4b:s19+s16] =	stream.strided.scatter [tilespmem:s23], [sflag:$0x3], $0x400, s10, s16, $0x38;
	[tilespmem:$0x180A0] =	vst v63  }
0x13a: {  	s24 =	simm.s32 $0x68A0;
	s20 =	sadd.s32 $0x100, s18  }
0x13b: {  	[hbm4b:s20+s16] =	stream.strided.scatter [tilespmem:s24], [sflag:$0x3], $0x400, s10, s16, $0x38;
	[tilespmem:$0x180A0] =	vst v63  }
0x13c: {  	s26 =	simm.s32 $0x6CA0;
	s21 =	sadd.s32 $0x180, s18  }
0x13d: {  	[hbm4b:s21+s16] =	stream.strided.scatter [tilespmem:s26], [sflag:$0x3], $0x400, s10, s16, $0x38;
	[tilespmem:$0x180A0] =	vst v63  }
0x13e: {  	s28 =	simm.s32 $0x70A0;
	s22 =	sadd.s32 $0x200, s18  }
0x13f: {  	[hbm4b:s22+s16] =	stream.strided.scatter [tilespmem:s28], [sflag:$0x3], $0x400, s10, s16, $0x38;
	[tilespmem:$0x180A0] =	vst v63  }
0x140: {  	s29 =	simm.s32 $0x74A0;
	s23 =	sadd.s32 $0x280, s18  }
0x141: {  	[hbm4b:s23+s16] =	stream.strided.scatter [tilespmem:s29], [sflag:$0x3], $0x400, s10, s16, $0x38;
	[tilespmem:$0x180A0] =	vst v63  }
0x142: {  	s30 =	simm.s32 $0x78A0;
	s24 =	sadd.s32 $0x300, s18  }
0x143: {  	[hbm4b:s24+s16] =	stream.strided.scatter [tilespmem:s30], [sflag:$0x3], $0x400, s10, s16, $0x38;
	[tilespmem:$0x180A0] =	vst v63  }
0x144: {  	s31 =	simm.s32 $0x7CA0;
	s1 =	sadd.s32 $0x380, s18  }
0x145: {  	[hbm4b:s1+s16] =	stream.strided.scatter [tilespmem:s31], [sflag:$0x3], $0x400, s10, s16, $0x38;
	[tilespmem:$0x180A0] =	vst v63  }
0x146: {  	s3 =	simm.s32 $0xA0A0;
	s26 =	sadd.s32 $0x400000, s7  }
0x147: {  	[hbm4b:s26+s16] =	stream.strided.scatter [tilespmem:s3], [sflag:$0x3], $0x200, s10, s16, $0x38;
	[tilespmem:$0x180A0] =	vst v63  }
0x148: {  	s6 =	simm.s32 $0xA4A0;
	s5 =	sadd.s32 $0x80, s26  }
0x149: {  	[hbm4b:s5+s16] =	stream.strided.scatter [tilespmem:s6], [sflag:$0x3], $0x200, s10, s16, $0x38;
	[tilespmem:$0x180A0] =	vst v63  }
0x14a: {  	s8 =	simm.s32 $0xA8A0;
	s7 =	sadd.s32 $0x100, s26  }
0x14b: {  	[hbm4b:s7+s16] =	stream.strided.scatter [tilespmem:s8], [sflag:$0x3], $0x200, s10, s16, $0x38;
	[tilespmem:$0x180A0] =	vst v63  }
0x14c: {  	s12 =	simm.s32 $0xACA0;
	s11 =	sadd.s32 $0x180, s26  }
0x14d: {  	[hbm4b:s11+s16] =	stream.strided.scatter [tilespmem:s12], [sflag:$0x3], $0x200, s10, s16, $0x38;
	[tilespmem:$0x180A0] =	vst v63  }
0x14e: {  	s14 =	simm.s32 $0xB0A0;
	s13 =	sadd.s32 $0x200, s26  }
0x14f: {  	[hbm4b:s13+s16] =	stream.strided.scatter [tilespmem:s14], [sflag:$0x3], $0x200, s10, s16, $0x38;
	[tilespmem:$0x180A0] =	vst v63  }
0x150: {  	s19 =	simm.s32 $0xB4A0;
	s18 =	sadd.s32 $0x280, s26;
	s22 =	sld [smem:$0x1]  }
0x151: {  	[hbm4b:s18+s16] =	stream.strided.scatter [tilespmem:s19], [sflag:$0x3], $0x200, s10, s16, $0x38;
	[tilespmem:$0x180A0] =	vst v63  }
0x152: {  	s21 =	simm.s32 $0xB8A0;
	s20 =	sadd.s32 $0x300, s26;
	s23 =	simm.s32 $0xBCA0  }
0x153: {  	[hbm4b:s20+s16] =	stream.strided.scatter [tilespmem:s21], [sflag:$0x3], $0x200, s10, s16, $0x38;
	[tilespmem:$0x180A0] =	vst v63  }
0x154: {  	s2 =	sshll.u32 s22, $0x7;
	s24 =	sshll.u32 s22, $0xB;
	s1 =	sadd.s32 $0x380, s26  }
0x155: {  	[hbm4b:s1+s16] =	stream.strided.scatter [tilespmem:s23], [sflag:$0x3], $0x200, s10, s16, $0x38;
	[tilespmem:$0x180A0] =	vst v63  }
0x156: {  	s2 =	sand.u32 $0x380, s2;
	s1 =	sand.u32 $0xFFFFC000, s24  }
0x157: {  	s1 =	sor.u32 s2, s1  }
0x158: {  	s26 =	rddreg [dreg:$0x1];
	s1 =	sshrl.u32 s1, $0x3  }
0x159: {  	s0 =	simm.s32 $0xC0A0;
	s2 =	sadd.s32 s26, s1  }
0x15a: {  	[tilespmem:s0], [sflag:$0x2] =	stream.strided.gather [hbm4b:s2+s16], $0x400, s17, s16, $0x38;
	[tilespmem:$0x180A0] =	vst v63  }
0x15b: {  	s5 =	simm.s32 $0xC4A0;
	s3 =	sadd.s32 $0x80, s2  }
0x15c: {  	[tilespmem:s5], [sflag:$0x2] =	stream.strided.gather [hbm4b:s3+s16], $0x400, s17, s16, $0x38;
	[tilespmem:$0x180A0] =	vst v63  }
0x15d: {  	s8 =	simm.s32 $0xC8A0;
	s6 =	sadd.s32 $0x100, s2  }
0x15e: {  	[tilespmem:s8], [sflag:$0x2] =	stream.strided.gather [hbm4b:s6+s16], $0x400, s17, s16, $0x38;
	[tilespmem:$0x180A0] =	vst v63  }
0x15f: {  	s12 =	simm.s32 $0xCCA0;
	s11 =	sadd.s32 $0x180, s2  }
0x160: {  	[tilespmem:s12], [sflag:$0x2] =	stream.strided.gather [hbm4b:s11+s16], $0x400, s17, s16, $0x38;
	[tilespmem:$0x180A0] =	vst v63  }
0x161: {  	s14 =	simm.s32 $0xD0A0;
	s13 =	sadd.s32 $0x200, s2  }
0x162: {  	[tilespmem:s14], [sflag:$0x2] =	stream.strided.gather [hbm4b:s13+s16], $0x400, s17, s16, $0x38;
	[tilespmem:$0x180A0] =	vst v63  }
0x163: {  	s19 =	simm.s32 $0xD4A0;
	s18 =	sadd.s32 $0x280, s2  }
0x164: {  	[tilespmem:s19], [sflag:$0x2] =	stream.strided.gather [hbm4b:s18+s16], $0x400, s17, s16, $0x38;
	[tilespmem:$0x180A0] =	vst v63  }
0x165: {  	s21 =	simm.s32 $0xD8A0;
	s20 =	sadd.s32 $0x300, s2  }
0x166: {  	[tilespmem:s21], [sflag:$0x2] =	stream.strided.gather [hbm4b:s20+s16], $0x400, s17, s16, $0x38;
	[tilespmem:$0x180A0] =	vst v63  }
0x167: {  	s23 =	simm.s32 $0xDCA0;
	s22 =	sadd.s32 $0x380, s2  }
0x168: {  	[tilespmem:s23], [sflag:$0x2] =	stream.strided.gather [hbm4b:s22+s16], $0x400, s17, s16, $0x38;
	[tilespmem:$0x180A0] =	vst v63  }
0x169: {  	s26 =	simm.s32 $0x100A0;
	s24 =	sadd.s32 $0x1F4000, s2  }
0x16a: {  	[tilespmem:s26], [sflag:$0x2] =	stream.strided.gather [hbm4b:s24+s16], $0x400, s17, s16, $0x38;
	[tilespmem:$0x180A0] =	vst v63  }
0x16b: {  	s5 =	sadd.s32 $0x80, s24;
	s6 =	simm.s32 $0x104A0  }
0x16c: {  	[tilespmem:s6], [sflag:$0x2] =	stream.strided.gather [hbm4b:s5+s16], $0x400, s17, s16, $0x38;
	[tilespmem:$0x180A0] =	vst v63  }
0x16d: {  	s8 =	sadd.s32 $0x100, s24;
	s12 =	simm.s32 $0x108A0  }
0x16e: {  	[tilespmem:s12], [sflag:$0x2] =	stream.strided.gather [hbm4b:s8+s16], $0x400, s17, s16, $0x38;
	[tilespmem:$0x180A0] =	vst v63  }
0x16f: {  	s13 =	sadd.s32 $0x180, s24;
	s14 =	simm.s32 $0x10CA0  }
0x170: {  	[tilespmem:s14], [sflag:$0x2] =	stream.strided.gather [hbm4b:s13+s16], $0x400, s17, s16, $0x38;
	[tilespmem:$0x180A0] =	vst v63  }
0x171: {  	s18 =	sadd.s32 $0x200, s24;
	s19 =	simm.s32 $0x110A0  }
0x172: {  	[tilespmem:s19], [sflag:$0x2] =	stream.strided.gather [hbm4b:s18+s16], $0x400, s17, s16, $0x38;
	[tilespmem:$0x180A0] =	vst v63  }
0x173: {  	s20 =	sadd.s32 $0x280, s24;
	s21 =	simm.s32 $0x114A0  }
0x174: {  	[tilespmem:s21], [sflag:$0x2] =	stream.strided.gather [hbm4b:s20+s16], $0x400, s17, s16, $0x38;
	[tilespmem:$0x180A0] =	vst v63  }
0x175: {  	s22 =	sadd.s32 $0x300, s24;
	s23 =	simm.s32 $0x118A0  }
0x176: {  	[tilespmem:s23], [sflag:$0x2] =	stream.strided.gather [hbm4b:s22+s16], $0x400, s17, s16, $0x38;
	[tilespmem:$0x180A0] =	vst v63  }
0x177: {  	s7 =	sadd.s32 $0x380, s24;
	s24 =	simm.s32 $0x11CA0  }
0x178: {  	[tilespmem:s24], [sflag:$0x2] =	stream.strided.gather [hbm4b:s7+s16], $0x400, s17, s16, $0x38;
	[tilespmem:$0x180A0] =	vst v63  }
0x179: {  	s2 =	sadd.s32 $0x3E8000, s2;
	s26 =	simm.s32 $0x140A0  }
0x17a: {  	[tilespmem:s26], [sflag:$0x2] =	stream.strided.gather [hbm4b:s2+s16], $0x200, s17, s16, $0x38;
	[tilespmem:$0x180A0] =	vst v63  }
0x17b: {  	s3 =	sadd.s32 $0x80, s2;
	s5 =	simm.s32 $0x144A0  }
0x17c: {  	[tilespmem:s5], [sflag:$0x2] =	stream.strided.gather [hbm4b:s3+s16], $0x200, s17, s16, $0x38;
	[tilespmem:$0x180A0] =	vst v63  }
0x17d: {  	s6 =	sadd.s32 $0x100, s2;
	s8 =	simm.s32 $0x148A0  }
0x17e: {  	[tilespmem:s8], [sflag:$0x2] =	stream.strided.gather [hbm4b:s6+s16], $0x200, s17, s16, $0x38;
	[tilespmem:$0x180A0] =	vst v63  }
0x17f: {  	s11 =	sadd.s32 $0x180, s2;
	s12 =	simm.s32 $0x14CA0  }
0x180: {  	[tilespmem:s12], [sflag:$0x2] =	stream.strided.gather [hbm4b:s11+s16], $0x200, s17, s16, $0x38;
	[tilespmem:$0x180A0] =	vst v63  }
0x181: {  	s13 =	sadd.s32 $0x200, s2;
	s14 =	simm.s32 $0x150A0  }
0x182: {  	[tilespmem:s14], [sflag:$0x2] =	stream.strided.gather [hbm4b:s13+s16], $0x200, s17, s16, $0x38;
	[tilespmem:$0x180A0] =	vst v63  }
0x183: {  	s18 =	sadd.s32 $0x280, s2;
	s19 =	simm.s32 $0x154A0  }
0x184: {  	[tilespmem:s19], [sflag:$0x2] =	stream.strided.gather [hbm4b:s18+s16], $0x200, s17, s16, $0x38;
	[tilespmem:$0x180A0] =	vst v63  }
0x185: {  	s20 =	sadd.s32 $0x300, s2;
	s21 =	simm.s32 $0x158A0  }
0x186: {  	[tilespmem:s21], [sflag:$0x2] =	stream.strided.gather [hbm4b:s20+s16], $0x200, s17, s16, $0x38;
	[tilespmem:$0x180A0] =	vst v63  }
0x187: {  	s22 =	simm.s32 $0x15CA0;
	s2 =	sadd.s32 $0x380, s2  }
0x188: {  	[tilespmem:s22], [sflag:$0x2] =	stream.strided.gather [hbm4b:s2+s16], $0x200, s17, s16, $0x38;
	[tilespmem:$0x180A0] =	vst v63  }
0x189: {  	s1 =	sadd.s32 s1, s9;
	s23 =	simm.s32 $0xE0A0  }
0x18a: {  	[tilespmem:s23], [sflag:$0x2] =	stream.strided.gather [hbm4b:s1+s16], $0x400, s17, s16, $0x38;
	[tilespmem:$0x180A0] =	vst v63  }
0x18b: {  	s24 =	sadd.s32 $0x80, s1;
	s26 =	simm.s32 $0xE4A0  }
0x18c: {  	[tilespmem:s26], [sflag:$0x2] =	stream.strided.gather [hbm4b:s24+s16], $0x400, s17, s16, $0x38;
	[tilespmem:$0x180A0] =	vst v63  }
0x18d: {  	s3 =	sadd.s32 $0x100, s1;
	s5 =	simm.s32 $0xE8A0  }
0x18e: {  	[tilespmem:s5], [sflag:$0x2] =	stream.strided.gather [hbm4b:s3+s16], $0x400, s17, s16, $0x38;
	[tilespmem:$0x180A0] =	vst v63  }
0x18f: {  	s6 =	sadd.s32 $0x180, s1  }
0x190: {  	[tilespmem:s4], [sflag:$0x2] =	stream.strided.gather [hbm4b:s6+s16], $0x400, s17, s16, $0x38;
	[tilespmem:$0x180A0] =	vst v63  }
0x191: {  	s7 =	sadd.s32 $0x200, s1;
	s8 =	simm.s32 $0xF0A0  }
0x192: {  	[tilespmem:s8], [sflag:$0x2] =	stream.strided.gather [hbm4b:s7+s16], $0x400, s17, s16, $0x38;
	[tilespmem:$0x180A0] =	vst v63  }
0x193: {  	s11 =	sadd.s32 $0x280, s1  }
0x194: {  	[tilespmem:s15], [sflag:$0x2] =	stream.strided.gather [hbm4b:s11+s16], $0x400, s17, s16, $0x38;
	[tilespmem:$0x180A0] =	vst v63  }
0x195: {  	s12 =	sadd.s32 $0x300, s1;
	s13 =	simm.s32 $0xF8A0  }
0x196: {  	[tilespmem:s13], [sflag:$0x2] =	stream.strided.gather [hbm4b:s12+s16], $0x400, s17, s16, $0x38;
	[tilespmem:$0x180A0] =	vst v63  }
0x197: {  	s28 =	simm.s32 $0x124A0;
	s14 =	sadd.s32 $0x380, s1  }
0x198: {  	[tilespmem:s25], [sflag:$0x2] =	stream.strided.gather [hbm4b:s14+s16], $0x400, s17, s16, $0x38;
	[tilespmem:$0x180A0] =	vst v63  }
0x199: {  	s29 =	simm.s32 $0x128A0;
	s18 =	sadd.s32 $0x1F4000, s1;
	s19 =	simm.s32 $0x120A0  }
0x19a: {  	[tilespmem:s19], [sflag:$0x2] =	stream.strided.gather [hbm4b:s18+s16], $0x400, s17, s16, $0x38;
	[tilespmem:$0x180A0] =	vst v63  }
0x19b: {  	s30 =	simm.s32 $0x12CA0;
	s20 =	sadd.s32 $0x80, s18;
	s21 =	simm.s32 $0x124A0  }
0x19c: {  	[tilespmem:s21], [sflag:$0x2] =	stream.strided.gather [hbm4b:s20+s16], $0x400, s17, s16, $0x38;
	[tilespmem:$0x180A0] =	vst v63  }
0x19d: {  	s31 =	simm.s32 $0x130A0;
	s22 =	sadd.s32 $0x100, s18;
	s23 =	simm.s32 $0x128A0  }
0x19e: {  	[tilespmem:s23], [sflag:$0x2] =	stream.strided.gather [hbm4b:s22+s16], $0x400, s17, s16, $0x38;
	[tilespmem:$0x180A0] =	vst v63  }
0x19f: {  	s2 =	sadd.s32 $0x380, s18;
	s24 =	sadd.s32 $0x180, s18;
	s26 =	simm.s32 $0x12CA0  }
0x1a0: {  	[tilespmem:s26], [sflag:$0x2] =	stream.strided.gather [hbm4b:s24+s16], $0x400, s17, s16, $0x38;
	[tilespmem:$0x180A0] =	vst v63  }
0x1a1: {  	s1 =	sadd.s32 $0x3E8000, s1;
	s3 =	sadd.s32 $0x200, s18;
	s5 =	simm.s32 $0x130A0  }
0x1a2: {  	[tilespmem:s5], [sflag:$0x2] =	stream.strided.gather [hbm4b:s3+s16], $0x400, s17, s16, $0x38;
	[tilespmem:$0x180A0] =	vst v63  }
0x1a3: {  	s6 =	sadd.s32 $0x280, s18;
	s8 =	simm.s32 $0x134A0;
	s7 =	simm.s32 $0x170A0  }
0x1a4: {  	[tilespmem:s8], [sflag:$0x2] =	stream.strided.gather [hbm4b:s6+s16], $0x400, s17, s16, $0x38;
	[tilespmem:$0x180A0] =	vst v63  }
0x1a5: {  	s11 =	sadd.s32 $0x300, s18;
	s12 =	simm.s32 $0x138A0;
	s13 =	simm.s32 $0x13CA0  }
0x1a6: {  	[tilespmem:s12], [sflag:$0x2] =	stream.strided.gather [hbm4b:s11+s16], $0x400, s17, s16, $0x38;
	[tilespmem:$0x180A0] =	vst v63  }
0x1a7: {  	s14 =	simm.s32 $0x160A0;
	s18 =	sadd.s32 $0x80, s1;
	s19 =	simm.s32 $0x164A0  }
0x1a8: {  	[tilespmem:s13], [sflag:$0x2] =	stream.strided.gather [hbm4b:s2+s16], $0x400, s17, s16, $0x38;
	[tilespmem:$0x180A0] =	vst v63  }
0x1a9: {  	s21 =	simm.s32 $0x160A0;
	s20 =	sadd.s32 $0x100, s1;
	s22 =	simm.s32 $0x164A0  }
0x1aa: {  	[tilespmem:s14], [sflag:$0x2] =	stream.strided.gather [hbm4b:s1+s16], $0x200, s17, s16, $0x38;
	[tilespmem:$0x180A0] =	vst v63  }
0x1ab: {  	s23 =	simm.s32 $0x168A0;
	s24 =	sadd.s32 $0x180, s1;
	s26 =	simm.s32 $0x16CA0  }
0x1ac: {  	[tilespmem:s19], [sflag:$0x2] =	stream.strided.gather [hbm4b:s18+s16], $0x200, s17, s16, $0x38;
	[tilespmem:$0x180A0] =	vst v63  }
0x1ad: {  	s3 =	simm.s32 $0x134A0;
	s5 =	simm.s32 $0x138A0;
	s8 =	simm.s32 $0x13CA0  }
0x1ae: {  	[tilespmem:s23], [sflag:$0x2] =	stream.strided.gather [hbm4b:s20+s16], $0x200, s17, s16, $0x38;
	[tilespmem:$0x180A0] =	vst v63  }
0x1af: {  	s6 =	sadd.s32 $0x200, s1;
	s11 =	sadd.s32 $0x280, s1;
	s12 =	simm.s32 $0x174A0  }
0x1b0: {  	[tilespmem:s26], [sflag:$0x2] =	stream.strided.gather [hbm4b:s24+s16], $0x200, s17, s16, $0x38;
	[tilespmem:$0x180A0] =	vst v63  }
0x1b1: {  	s13 =	simm.s32 $0x168A0;
	s2 =	simm.s32 $0x1;
	s14 =	simm.s32 $0x16CA0  }
0x1b2: {  	[tilespmem:s7], [sflag:$0x2] =	stream.strided.gather [hbm4b:s6+s16], $0x200, s17, s16, $0x38;
	[tilespmem:$0x180A0] =	vst v63  }
0x1b3: {  	s18 =	sadd.s32 $0x300, s1;
	s19 =	simm.s32 $0x178A0;
	s1 =	sadd.s32 $0x380, s1  }
0x1b4: {  	[tilespmem:s12], [sflag:$0x2] =	stream.strided.gather [hbm4b:s11+s16], $0x200, s17, s16, $0x38;
	[tilespmem:$0x180A0] =	vst v63  }
.Ltmp2:
0x1b5: {  	s23 =	simm.s32 $0x170A0;
	s20 =	simm.s32 $0x17CA0;
	(pc) =	sbr.rel .LBB2_2-.Ltmp2, $4  }
0x1b6: {  	s24 =	simm.s32 $0x178A0;
	s26 =	simm.s32 $0x17CA0;
	s6 =	simm.s32 $0x174A0  }
0x1b7: {  	[tilespmem:s19], [sflag:$0x2] =	stream.strided.gather [hbm4b:s18+s16], $0x200, s17, s16, $0x38;
	[tilespmem:$0x180A0] =	vst v63  }
0x1b8: {  	s7 =	simm.s32 $0x2;
	s11 =	simm.s32 $0x10;
	s12 =	rddreg [dreg:$0xc]  }
0x1b9: {  	[tilespmem:s20], [sflag:$0x2] =	stream.strided.gather [hbm4b:s1+s16], $0x200, s17, s16, $0x38;
	[tilespmem:$0x180A0] =	vst v63  }
.LBB2_4:
0x1ba: {  	s19 =	simm.s32 $0x2  }
0x1bb: {  	_ =	swait.ge [sflag:s19], $0xA000  }
0x1bc: {  	[sflag:s19] =	ssyncset.done $0x0  }
0x1bd: {  	s18 =	sand.u32 $0x70, s11;
	[sflag:s19] =	ssyncadd.s32 $0xFFFF6000  }
0x1be: {  	s1 =	sor.u32 s18, s1;
	s20 =	rddreg [dreg:$0x2]  }
0x1bf: {  	s18 =	sadd.s32 s20, s1  }
0x1c0: {  	[hbm4b:s18+s16] =	stream.strided.scatter [tilespmem:s0], [sflag:$0x4], $0x400, s10, s16, $0x38;
	[tilespmem:$0x180A0] =	vst v63  }
0x1c1: {  	s20 =	simm.s32 $0xC4A0;
	s0 =	sadd.s32 $0x80, s18  }
0x1c2: {  	[hbm4b:s0+s16] =	stream.strided.scatter [tilespmem:s20], [sflag:$0x4], $0x400, s10, s16, $0x38;
	[tilespmem:$0x180A0] =	vst v63  }
0x1c3: {  	s0 =	sadd.s32 $0x100, s18;
	s20 =	simm.s32 $0xC8A0  }
0x1c4: {  	[hbm4b:s0+s16] =	stream.strided.scatter [tilespmem:s20], [sflag:$0x4], $0x400, s10, s16, $0x38;
	[tilespmem:$0x180A0] =	vst v63  }
0x1c5: {  	s0 =	sadd.s32 $0x180, s18;
	s20 =	simm.s32 $0xCCA0  }
0x1c6: {  	[hbm4b:s0+s16] =	stream.strided.scatter [tilespmem:s20], [sflag:$0x4], $0x400, s10, s16, $0x38;
	[tilespmem:$0x180A0] =	vst v63  }
0x1c7: {  	s0 =	sadd.s32 $0x200, s18;
	s20 =	simm.s32 $0xD0A0  }
0x1c8: {  	[hbm4b:s0+s16] =	stream.strided.scatter [tilespmem:s20], [sflag:$0x4], $0x400, s10, s16, $0x38;
	[tilespmem:$0x180A0] =	vst v63  }
0x1c9: {  	s0 =	sadd.s32 $0x280, s18;
	s20 =	simm.s32 $0xD4A0  }
0x1ca: {  	[hbm4b:s0+s16] =	stream.strided.scatter [tilespmem:s20], [sflag:$0x4], $0x400, s10, s16, $0x38;
	[tilespmem:$0x180A0] =	vst v63  }
0x1cb: {  	s0 =	sadd.s32 $0x300, s18;
	s20 =	simm.s32 $0xD8A0  }
0x1cc: {  	[hbm4b:s0+s16] =	stream.strided.scatter [tilespmem:s20], [sflag:$0x4], $0x400, s10, s16, $0x38;
	[tilespmem:$0x180A0] =	vst v63  }
0x1cd: {  	s0 =	sadd.s32 $0x380, s18;
	s20 =	simm.s32 $0xDCA0  }
0x1ce: {  	[hbm4b:s0+s16] =	stream.strided.scatter [tilespmem:s20], [sflag:$0x4], $0x400, s10, s16, $0x38;
	[tilespmem:$0x180A0] =	vst v63  }
0x1cf: {  	s19 =	sadd.s32 $0x200000, s18;
	s20 =	simm.s32 $0x100A0  }
0x1d0: {  	[hbm4b:s19+s16] =	stream.strided.scatter [tilespmem:s20], [sflag:$0x4], $0x400, s10, s16, $0x38;
	[tilespmem:$0x180A0] =	vst v63  }
0x1d1: {  	s0 =	simm.s32 $0x104A0;
	s20 =	sadd.s32 $0x80, s19  }
0x1d2: {  	[hbm4b:s20+s16] =	stream.strided.scatter [tilespmem:s0], [sflag:$0x4], $0x400, s10, s16, $0x38;
	[tilespmem:$0x180A0] =	vst v63  }
0x1d3: {  	s20 =	sadd.s32 $0x100, s19;
	s0 =	simm.s32 $0x108A0  }
0x1d4: {  	[hbm4b:s20+s16] =	stream.strided.scatter [tilespmem:s0], [sflag:$0x4], $0x400, s10, s16, $0x38;
	[tilespmem:$0x180A0] =	vst v63  }
0x1d5: {  	s20 =	sadd.s32 $0x180, s19;
	s0 =	simm.s32 $0x10CA0  }
0x1d6: {  	[hbm4b:s20+s16] =	stream.strided.scatter [tilespmem:s0], [sflag:$0x4], $0x400, s10, s16, $0x38;
	[tilespmem:$0x180A0] =	vst v63  }
0x1d7: {  	s20 =	sadd.s32 $0x200, s19;
	s0 =	simm.s32 $0x110A0  }
0x1d8: {  	[hbm4b:s20+s16] =	stream.strided.scatter [tilespmem:s0], [sflag:$0x4], $0x400, s10, s16, $0x38;
	[tilespmem:$0x180A0] =	vst v63  }
0x1d9: {  	s20 =	sadd.s32 $0x280, s19;
	s0 =	simm.s32 $0x114A0  }
0x1da: {  	[hbm4b:s20+s16] =	stream.strided.scatter [tilespmem:s0], [sflag:$0x4], $0x400, s10, s16, $0x38;
	[tilespmem:$0x180A0] =	vst v63  }
0x1db: {  	s20 =	sadd.s32 $0x300, s19;
	s0 =	simm.s32 $0x118A0  }
0x1dc: {  	[hbm4b:s20+s16] =	stream.strided.scatter [tilespmem:s0], [sflag:$0x4], $0x400, s10, s16, $0x38;
	[tilespmem:$0x180A0] =	vst v63  }
0x1dd: {  	s19 =	sadd.s32 $0x380, s19;
	s20 =	simm.s32 $0x11CA0  }
0x1de: {  	[hbm4b:s19+s16] =	stream.strided.scatter [tilespmem:s20], [sflag:$0x4], $0x400, s10, s16, $0x38;
	[tilespmem:$0x180A0] =	vst v63  }
0x1df: {  	s18 =	sadd.s32 $0x400000, s18;
	s20 =	simm.s32 $0x140A0  }
0x1e0: {  	[hbm4b:s18+s16] =	stream.strided.scatter [tilespmem:s20], [sflag:$0x4], $0x200, s10, s16, $0x38;
	[tilespmem:$0x180A0] =	vst v63  }
0x1e1: {  	s0 =	sadd.s32 $0x80, s18;
	s20 =	simm.s32 $0x144A0  }
0x1e2: {  	[hbm4b:s0+s16] =	stream.strided.scatter [tilespmem:s20], [sflag:$0x4], $0x200, s10, s16, $0x38;
	[tilespmem:$0x180A0] =	vst v63  }
0x1e3: {  	s0 =	sadd.s32 $0x100, s18;
	s20 =	simm.s32 $0x148A0  }
0x1e4: {  	[hbm4b:s0+s16] =	stream.strided.scatter [tilespmem:s20], [sflag:$0x4], $0x200, s10, s16, $0x38;
	[tilespmem:$0x180A0] =	vst v63  }
0x1e5: {  	s0 =	sadd.s32 $0x180, s18;
	s20 =	simm.s32 $0x14CA0  }
0x1e6: {  	[hbm4b:s0+s16] =	stream.strided.scatter [tilespmem:s20], [sflag:$0x4], $0x200, s10, s16, $0x38;
	[tilespmem:$0x180A0] =	vst v63  }
0x1e7: {  	s0 =	sadd.s32 $0x200, s18;
	s20 =	simm.s32 $0x150A0  }
0x1e8: {  	[hbm4b:s0+s16] =	stream.strided.scatter [tilespmem:s20], [sflag:$0x4], $0x200, s10, s16, $0x38;
	[tilespmem:$0x180A0] =	vst v63  }
0x1e9: {  	s0 =	sadd.s32 $0x280, s18;
	s20 =	simm.s32 $0x154A0  }
0x1ea: {  	[hbm4b:s0+s16] =	stream.strided.scatter [tilespmem:s20], [sflag:$0x4], $0x200, s10, s16, $0x38;
	[tilespmem:$0x180A0] =	vst v63  }
0x1eb: {  	s0 =	sadd.s32 $0x300, s18;
	s20 =	simm.s32 $0x158A0  }
0x1ec: {  	[hbm4b:s0+s16] =	stream.strided.scatter [tilespmem:s20], [sflag:$0x4], $0x200, s10, s16, $0x38;
	[tilespmem:$0x180A0] =	vst v63  }
0x1ed: {  	s19 =	simm.s32 $0x15CA0;
	s18 =	sadd.s32 $0x380, s18;
	s20 =	rddreg [dreg:$0xd]  }
0x1ee: {  	[hbm4b:s18+s16] =	stream.strided.scatter [tilespmem:s19], [sflag:$0x4], $0x200, s10, s16, $0x38;
	[tilespmem:$0x180A0] =	vst v63  }
0x1ef: {  	s1 =	sadd.s32 s1, s20;
	s18 =	simm.s32 $0xE0A0  }
0x1f0: {  	[hbm4b:s1+s16] =	stream.strided.scatter [tilespmem:s18], [sflag:$0x4], $0x400, s10, s16, $0x38;
	[tilespmem:$0x180A0] =	vst v63  }
0x1f1: {  	s20 =	simm.s32 $0xE4A0;
	s19 =	sadd.s32 $0x80, s1  }
0x1f2: {  	[hbm4b:s19+s16] =	stream.strided.scatter [tilespmem:s20], [sflag:$0x4], $0x400, s10, s16, $0x38;
	[tilespmem:$0x180A0] =	vst v63  }
0x1f3: {  	s19 =	sadd.s32 $0x100, s1;
	s20 =	simm.s32 $0xE8A0  }
0x1f4: {  	[hbm4b:s19+s16] =	stream.strided.scatter [tilespmem:s20], [sflag:$0x4], $0x400, s10, s16, $0x38;
	[tilespmem:$0x180A0] =	vst v63  }
0x1f5: {  	s0 =	sadd.s32 $0x180, s1  }
0x1f6: {  	[hbm4b:s0+s16] =	stream.strided.scatter [tilespmem:s4], [sflag:$0x4], $0x400, s10, s16, $0x38;
	[tilespmem:$0x180A0] =	vst v63  }
0x1f7: {  	s19 =	sadd.s32 $0x200, s1;
	s20 =	simm.s32 $0xF0A0  }
0x1f8: {  	[hbm4b:s19+s16] =	stream.strided.scatter [tilespmem:s20], [sflag:$0x4], $0x400, s10, s16, $0x38;
	[tilespmem:$0x180A0] =	vst v63  }
0x1f9: {  	s0 =	sadd.s32 $0x280, s1  }
0x1fa: {  	[hbm4b:s0+s16] =	stream.strided.scatter [tilespmem:s15], [sflag:$0x4], $0x400, s10, s16, $0x38;
	[tilespmem:$0x180A0] =	vst v63  }
0x1fb: {  	s19 =	sadd.s32 $0x300, s1;
	s20 =	simm.s32 $0xF8A0  }
0x1fc: {  	[hbm4b:s19+s16] =	stream.strided.scatter [tilespmem:s20], [sflag:$0x4], $0x400, s10, s16, $0x38;
	[tilespmem:$0x180A0] =	vst v63  }
0x1fd: {  	s0 =	sadd.s32 $0x380, s1  }
0x1fe: {  	[hbm4b:s0+s16] =	stream.strided.scatter [tilespmem:s25], [sflag:$0x4], $0x400, s10, s16, $0x38;
	[tilespmem:$0x180A0] =	vst v63  }
0x1ff: {  	s18 =	sadd.s32 $0x200000, s1;
	s19 =	simm.s32 $0x120A0  }
0x200: {  	[hbm4b:s18+s16] =	stream.strided.scatter [tilespmem:s19], [sflag:$0x4], $0x400, s10, s16, $0x38;
	[tilespmem:$0x180A0] =	vst v63  }
0x201: {  	s20 =	sadd.s32 $0x80, s18  }
0x202: {  	[hbm4b:s20+s16] =	stream.strided.scatter [tilespmem:s28], [sflag:$0x4], $0x400, s10, s16, $0x38;
	[tilespmem:$0x180A0] =	vst v63  }
0x203: {  	s0 =	sadd.s32 $0x100, s18  }
0x204: {  	[hbm4b:s0+s16] =	stream.strided.scatter [tilespmem:s29], [sflag:$0x4], $0x400, s10, s16, $0x38;
	[tilespmem:$0x180A0] =	vst v63  }
0x205: {  	s20 =	sadd.s32 $0x180, s18  }
0x206: {  	[hbm4b:s20+s16] =	stream.strided.scatter [tilespmem:s30], [sflag:$0x4], $0x400, s10, s16, $0x38;
	[tilespmem:$0x180A0] =	vst v63  }
0x207: {  	s0 =	sadd.s32 $0x200, s18  }
0x208: {  	[hbm4b:s0+s16] =	stream.strided.scatter [tilespmem:s31], [sflag:$0x4], $0x400, s10, s16, $0x38;
	[tilespmem:$0x180A0] =	vst v63  }
0x209: {  	s20 =	sadd.s32 $0x280, s18  }
0x20a: {  	[hbm4b:s20+s16] =	stream.strided.scatter [tilespmem:s3], [sflag:$0x4], $0x400, s10, s16, $0x38;
	[tilespmem:$0x180A0] =	vst v63  }
0x20b: {  	s0 =	sadd.s32 $0x300, s18  }
0x20c: {  	[hbm4b:s0+s16] =	stream.strided.scatter [tilespmem:s5], [sflag:$0x4], $0x400, s10, s16, $0x38;
	[tilespmem:$0x180A0] =	vst v63  }
0x20d: {  	s18 =	sadd.s32 $0x380, s18  }
0x20e: {  	[hbm4b:s18+s16] =	stream.strided.scatter [tilespmem:s8], [sflag:$0x4], $0x400, s10, s16, $0x38;
	[tilespmem:$0x180A0] =	vst v63  }
0x20f: {  	s1 =	sadd.s32 $0x400000, s1  }
0x210: {  	[hbm4b:s1+s16] =	stream.strided.scatter [tilespmem:s21], [sflag:$0x4], $0x200, s10, s16, $0x38;
	[tilespmem:$0x180A0] =	vst v63  }
0x211: {  	s19 =	sadd.s32 $0x80, s1  }
0x212: {  	[hbm4b:s19+s16] =	stream.strided.scatter [tilespmem:s22], [sflag:$0x4], $0x200, s10, s16, $0x38;
	[tilespmem:$0x180A0] =	vst v63  }
0x213: {  	s20 =	sadd.s32 $0x100, s1  }
0x214: {  	[hbm4b:s20+s16] =	stream.strided.scatter [tilespmem:s13], [sflag:$0x4], $0x200, s10, s16, $0x38;
	[tilespmem:$0x180A0] =	vst v63  }
0x215: {  	s0 =	sadd.s32 $0x180, s1  }
0x216: {  	[hbm4b:s0+s16] =	stream.strided.scatter [tilespmem:s14], [sflag:$0x4], $0x200, s10, s16, $0x38;
	[tilespmem:$0x180A0] =	vst v63  }
0x217: {  	s19 =	sadd.s32 $0x200, s1  }
0x218: {  	[hbm4b:s19+s16] =	stream.strided.scatter [tilespmem:s23], [sflag:$0x4], $0x200, s10, s16, $0x38;
	[tilespmem:$0x180A0] =	vst v63  }
0x219: {  	s20 =	sadd.s32 $0x280, s1  }
0x21a: {  	[hbm4b:s20+s16] =	stream.strided.scatter [tilespmem:s6], [sflag:$0x4], $0x200, s10, s16, $0x38;
	[tilespmem:$0x180A0] =	vst v63  }
0x21b: {  	s0 =	sadd.s32 $0x300, s1  }
0x21c: {  	[hbm4b:s0+s16] =	stream.strided.scatter [tilespmem:s24], [sflag:$0x4], $0x200, s10, s16, $0x38;
	[tilespmem:$0x180A0] =	vst v63  }
0x21d: {  	s1 =	sadd.s32 $0x380, s1  }
0x21e: {  	[hbm4b:s1+s16] =	stream.strided.scatter [tilespmem:s26], [sflag:$0x4], $0x200, s10, s16, $0x38;
	[tilespmem:$0x180A0] =	vst v63  }
0x21f: {  	s1 =	simm.s32 $0x3  }
0x220: {  	_ =	swait.ge [sflag:s1], $0xA000  }
0x221: {  	[sflag:s1] =	ssyncset.done $0x0  }
0x222: {  	[sflag:s1] =	ssyncadd.s32 $0xFFFF6000  }
0x223: {  	s18 =	sld [smem:s7+$0x0];
	_ =	sdelay $0x2  }
0x224: {  	s19 =	sshll.u32 s18, $0xB;
	s1 =	sshll.u32 s18, $0x7  }
0x225: {  	s18 =	sand.u32 $0xFFFFC000, s19;
	s1 =	sand.u32 $0x380, s1  }
0x226: {  	s1 =	sor.u32 s1, s18  }
0x227: {  	s20 =	rddreg [dreg:$0x1];
	s1 =	sshrl.u32 s1, $0x3  }
0x228: {  	s0 =	simm.s32 $0xA0;
	s18 =	sadd.s32 s20, s1  }
0x229: {  	[tilespmem:s0], [sflag:$0x1] =	stream.strided.gather [hbm4b:s18+s16], $0x400, s17, s16, $0x38;
	[tilespmem:$0x180A0] =	vst v63  }
0x22a: {  	s20 =	sadd.s32 $0x80, s18;
	s0 =	simm.s32 $0x4A0  }
0x22b: {  	[tilespmem:s0], [sflag:$0x1] =	stream.strided.gather [hbm4b:s20+s16], $0x400, s17, s16, $0x38;
	[tilespmem:$0x180A0] =	vst v63  }
0x22c: {  	s20 =	sadd.s32 $0x100, s18;
	s0 =	simm.s32 $0x8A0  }
0x22d: {  	[tilespmem:s0], [sflag:$0x1] =	stream.strided.gather [hbm4b:s20+s16], $0x400, s17, s16, $0x38;
	[tilespmem:$0x180A0] =	vst v63  }
0x22e: {  	s20 =	sadd.s32 $0x180, s18;
	s0 =	simm.s32 $0xCA0  }
0x22f: {  	[tilespmem:s0], [sflag:$0x1] =	stream.strided.gather [hbm4b:s20+s16], $0x400, s17, s16, $0x38;
	[tilespmem:$0x180A0] =	vst v63  }
0x230: {  	s20 =	sadd.s32 $0x200, s18;
	s0 =	simm.s32 $0x10A0  }
0x231: {  	[tilespmem:s0], [sflag:$0x1] =	stream.strided.gather [hbm4b:s20+s16], $0x400, s17, s16, $0x38;
	[tilespmem:$0x180A0] =	vst v63  }
0x232: {  	s20 =	sadd.s32 $0x280, s18;
	s0 =	simm.s32 $0x14A0  }
0x233: {  	[tilespmem:s0], [sflag:$0x1] =	stream.strided.gather [hbm4b:s20+s16], $0x400, s17, s16, $0x38;
	[tilespmem:$0x180A0] =	vst v63  }
0x234: {  	s20 =	sadd.s32 $0x300, s18;
	s0 =	simm.s32 $0x18A0  }
0x235: {  	[tilespmem:s0], [sflag:$0x1] =	stream.strided.gather [hbm4b:s20+s16], $0x400, s17, s16, $0x38;
	[tilespmem:$0x180A0] =	vst v63  }
0x236: {  	s20 =	sadd.s32 $0x380, s18;
	s0 =	simm.s32 $0x1CA0  }
0x237: {  	[tilespmem:s0], [sflag:$0x1] =	stream.strided.gather [hbm4b:s20+s16], $0x400, s17, s16, $0x38;
	[tilespmem:$0x180A0] =	vst v63  }
0x238: {  	s19 =	sadd.s32 $0x1F4000, s18;
	s0 =	simm.s32 $0x40A0  }
0x239: {  	[tilespmem:s0], [sflag:$0x1] =	stream.strided.gather [hbm4b:s19+s16], $0x400, s17, s16, $0x38;
	[tilespmem:$0x180A0] =	vst v63  }
0x23a: {  	s20 =	sadd.s32 $0x80, s19;
	s0 =	simm.s32 $0x44A0  }
0x23b: {  	[tilespmem:s0], [sflag:$0x1] =	stream.strided.gather [hbm4b:s20+s16], $0x400, s17, s16, $0x38;
	[tilespmem:$0x180A0] =	vst v63  }
0x23c: {  	s20 =	sadd.s32 $0x100, s19;
	s0 =	simm.s32 $0x48A0  }
0x23d: {  	[tilespmem:s0], [sflag:$0x1] =	stream.strided.gather [hbm4b:s20+s16], $0x400, s17, s16, $0x38;
	[tilespmem:$0x180A0] =	vst v63  }
0x23e: {  	s20 =	sadd.s32 $0x180, s19;
	s0 =	simm.s32 $0x4CA0  }
0x23f: {  	[tilespmem:s0], [sflag:$0x1] =	stream.strided.gather [hbm4b:s20+s16], $0x400, s17, s16, $0x38;
	[tilespmem:$0x180A0] =	vst v63  }
0x240: {  	s20 =	sadd.s32 $0x200, s19;
	s0 =	simm.s32 $0x50A0  }
0x241: {  	[tilespmem:s0], [sflag:$0x1] =	stream.strided.gather [hbm4b:s20+s16], $0x400, s17, s16, $0x38;
	[tilespmem:$0x180A0] =	vst v63  }
0x242: {  	s20 =	sadd.s32 $0x280, s19;
	s0 =	simm.s32 $0x54A0  }
0x243: {  	[tilespmem:s0], [sflag:$0x1] =	stream.strided.gather [hbm4b:s20+s16], $0x400, s17, s16, $0x38;
	[tilespmem:$0x180A0] =	vst v63  }
0x244: {  	s20 =	sadd.s32 $0x300, s19;
	s0 =	simm.s32 $0x58A0  }
0x245: {  	[tilespmem:s0], [sflag:$0x1] =	stream.strided.gather [hbm4b:s20+s16], $0x400, s17, s16, $0x38;
	[tilespmem:$0x180A0] =	vst v63  }
0x246: {  	s19 =	sadd.s32 $0x380, s19;
	s20 =	simm.s32 $0x5CA0  }
0x247: {  	[tilespmem:s20], [sflag:$0x1] =	stream.strided.gather [hbm4b:s19+s16], $0x400, s17, s16, $0x38;
	[tilespmem:$0x180A0] =	vst v63  }
0x248: {  	s18 =	sadd.s32 $0x3E8000, s18;
	s20 =	simm.s32 $0x80A0  }
0x249: {  	[tilespmem:s20], [sflag:$0x1] =	stream.strided.gather [hbm4b:s18+s16], $0x200, s17, s16, $0x38;
	[tilespmem:$0x180A0] =	vst v63  }
0x24a: {  	s0 =	sadd.s32 $0x80, s18;
	s20 =	simm.s32 $0x84A0  }
0x24b: {  	[tilespmem:s20], [sflag:$0x1] =	stream.strided.gather [hbm4b:s0+s16], $0x200, s17, s16, $0x38;
	[tilespmem:$0x180A0] =	vst v63  }
0x24c: {  	s0 =	sadd.s32 $0x100, s18;
	s20 =	simm.s32 $0x88A0  }
0x24d: {  	[tilespmem:s20], [sflag:$0x1] =	stream.strided.gather [hbm4b:s0+s16], $0x200, s17, s16, $0x38;
	[tilespmem:$0x180A0] =	vst v63  }
0x24e: {  	s0 =	sadd.s32 $0x180, s18;
	s20 =	simm.s32 $0x8CA0  }
0x24f: {  	[tilespmem:s20], [sflag:$0x1] =	stream.strided.gather [hbm4b:s0+s16], $0x200, s17, s16, $0x38;
	[tilespmem:$0x180A0] =	vst v63  }
0x250: {  	s0 =	sadd.s32 $0x200, s18;
	s20 =	simm.s32 $0x90A0  }
0x251: {  	[tilespmem:s20], [sflag:$0x1] =	stream.strided.gather [hbm4b:s0+s16], $0x200, s17, s16, $0x38;
	[tilespmem:$0x180A0] =	vst v63  }
0x252: {  	s0 =	sadd.s32 $0x280, s18;
	s20 =	simm.s32 $0x94A0  }
0x253: {  	[tilespmem:s20], [sflag:$0x1] =	stream.strided.gather [hbm4b:s0+s16], $0x200, s17, s16, $0x38;
	[tilespmem:$0x180A0] =	vst v63  }
0x254: {  	s0 =	sadd.s32 $0x300, s18;
	s20 =	simm.s32 $0x98A0  }
0x255: {  	[tilespmem:s20], [sflag:$0x1] =	stream.strided.gather [hbm4b:s0+s16], $0x200, s17, s16, $0x38;
	[tilespmem:$0x180A0] =	vst v63  }
0x256: {  	s18 =	sadd.s32 $0x380, s18;
	s20 =	simm.s32 $0x9CA0  }
0x257: {  	[tilespmem:s20], [sflag:$0x1] =	stream.strided.gather [hbm4b:s18+s16], $0x200, s17, s16, $0x38;
	[tilespmem:$0x180A0] =	vst v63  }
0x258: {  	s1 =	sadd.s32 s1, s9;
	s18 =	simm.s32 $0x20A0  }
0x259: {  	[tilespmem:s18], [sflag:$0x1] =	stream.strided.gather [hbm4b:s1+s16], $0x400, s17, s16, $0x38;
	[tilespmem:$0x180A0] =	vst v63  }
0x25a: {  	s19 =	sadd.s32 $0x80, s1;
	s20 =	simm.s32 $0x24A0  }
0x25b: {  	[tilespmem:s20], [sflag:$0x1] =	stream.strided.gather [hbm4b:s19+s16], $0x400, s17, s16, $0x38;
	[tilespmem:$0x180A0] =	vst v63  }
0x25c: {  	s19 =	sadd.s32 $0x100, s1;
	s20 =	simm.s32 $0x28A0  }
0x25d: {  	[tilespmem:s20], [sflag:$0x1] =	stream.strided.gather [hbm4b:s19+s16], $0x400, s17, s16, $0x38;
	[tilespmem:$0x180A0] =	vst v63  }
0x25e: {  	s19 =	sadd.s32 $0x180, s1;
	s20 =	simm.s32 $0x2CA0  }
0x25f: {  	[tilespmem:s20], [sflag:$0x1] =	stream.strided.gather [hbm4b:s19+s16], $0x400, s17, s16, $0x38;
	[tilespmem:$0x180A0] =	vst v63  }
0x260: {  	s19 =	sadd.s32 $0x200, s1;
	s20 =	simm.s32 $0x30A0  }
0x261: {  	[tilespmem:s20], [sflag:$0x1] =	stream.strided.gather [hbm4b:s19+s16], $0x400, s17, s16, $0x38;
	[tilespmem:$0x180A0] =	vst v63  }
0x262: {  	s19 =	sadd.s32 $0x280, s1;
	s20 =	simm.s32 $0x34A0  }
0x263: {  	[tilespmem:s20], [sflag:$0x1] =	stream.strided.gather [hbm4b:s19+s16], $0x400, s17, s16, $0x38;
	[tilespmem:$0x180A0] =	vst v63  }
0x264: {  	s19 =	sadd.s32 $0x300, s1;
	s20 =	simm.s32 $0x38A0  }
0x265: {  	[tilespmem:s20], [sflag:$0x1] =	stream.strided.gather [hbm4b:s19+s16], $0x400, s17, s16, $0x38;
	[tilespmem:$0x180A0] =	vst v63  }
0x266: {  	s0 =	sadd.s32 $0x380, s1;
	s19 =	simm.s32 $0x3CA0  }
0x267: {  	[tilespmem:s19], [sflag:$0x1] =	stream.strided.gather [hbm4b:s0+s16], $0x400, s17, s16, $0x38;
	[tilespmem:$0x180A0] =	vst v63  }
0x268: {  	s18 =	sadd.s32 $0x1F4000, s1;
	s20 =	simm.s32 $0x60A0  }
0x269: {  	[tilespmem:s20], [sflag:$0x1] =	stream.strided.gather [hbm4b:s18+s16], $0x400, s17, s16, $0x38;
	[tilespmem:$0x180A0] =	vst v63  }
0x26a: {  	s0 =	sadd.s32 $0x80, s18;
	s20 =	simm.s32 $0x64A0  }
0x26b: {  	[tilespmem:s20], [sflag:$0x1] =	stream.strided.gather [hbm4b:s0+s16], $0x400, s17, s16, $0x38;
	[tilespmem:$0x180A0] =	vst v63  }
0x26c: {  	s0 =	sadd.s32 $0x100, s18;
	s20 =	simm.s32 $0x68A0  }
0x26d: {  	[tilespmem:s20], [sflag:$0x1] =	stream.strided.gather [hbm4b:s0+s16], $0x400, s17, s16, $0x38;
	[tilespmem:$0x180A0] =	vst v63  }
0x26e: {  	s19 =	sadd.s32 $0x180, s18;
	s20 =	simm.s32 $0x6CA0  }
0x26f: {  	[tilespmem:s20], [sflag:$0x1] =	stream.strided.gather [hbm4b:s19+s16], $0x400, s17, s16, $0x38;
	[tilespmem:$0x180A0] =	vst v63  }
0x270: {  	s19 =	sadd.s32 $0x200, s18;
	s20 =	simm.s32 $0x70A0  }
0x271: {  	[tilespmem:s20], [sflag:$0x1] =	stream.strided.gather [hbm4b:s19+s16], $0x400, s17, s16, $0x38;
	[tilespmem:$0x180A0] =	vst v63  }
0x272: {  	s19 =	sadd.s32 $0x280, s18;
	s20 =	simm.s32 $0x74A0  }
0x273: {  	[tilespmem:s20], [sflag:$0x1] =	stream.strided.gather [hbm4b:s19+s16], $0x400, s17, s16, $0x38;
	[tilespmem:$0x180A0] =	vst v63  }
0x274: {  	s19 =	sadd.s32 $0x300, s18;
	s20 =	simm.s32 $0x78A0  }
0x275: {  	[tilespmem:s20], [sflag:$0x1] =	stream.strided.gather [hbm4b:s19+s16], $0x400, s17, s16, $0x38;
	[tilespmem:$0x180A0] =	vst v63  }
0x276: {  	s18 =	sadd.s32 $0x380, s18;
	s20 =	simm.s32 $0x7CA0  }
0x277: {  	[tilespmem:s20], [sflag:$0x1] =	stream.strided.gather [hbm4b:s18+s16], $0x400, s17, s16, $0x38;
	[tilespmem:$0x180A0] =	vst v63  }
0x278: {  	s1 =	sadd.s32 $0x3E8000, s1;
	s20 =	simm.s32 $0xA0A0  }
0x279: {  	[tilespmem:s20], [sflag:$0x1] =	stream.strided.gather [hbm4b:s1+s16], $0x200, s17, s16, $0x38;
	[tilespmem:$0x180A0] =	vst v63  }
0x27a: {  	s19 =	sadd.s32 $0x80, s1;
	s20 =	simm.s32 $0xA4A0  }
0x27b: {  	[tilespmem:s20], [sflag:$0x1] =	stream.strided.gather [hbm4b:s19+s16], $0x200, s17, s16, $0x38;
	[tilespmem:$0x180A0] =	vst v63  }
0x27c: {  	s19 =	sadd.s32 $0x100, s1;
	s20 =	simm.s32 $0xA8A0  }
0x27d: {  	[tilespmem:s20], [sflag:$0x1] =	stream.strided.gather [hbm4b:s19+s16], $0x200, s17, s16, $0x38;
	[tilespmem:$0x180A0] =	vst v63  }
0x27e: {  	s19 =	sadd.s32 $0x180, s1;
	s20 =	simm.s32 $0xACA0  }
0x27f: {  	[tilespmem:s20], [sflag:$0x1] =	stream.strided.gather [hbm4b:s19+s16], $0x200, s17, s16, $0x38;
	[tilespmem:$0x180A0] =	vst v63  }
0x280: {  	s19 =	sadd.s32 $0x200, s1;
	s20 =	simm.s32 $0xB0A0  }
0x281: {  	[tilespmem:s20], [sflag:$0x1] =	stream.strided.gather [hbm4b:s19+s16], $0x200, s17, s16, $0x38;
	[tilespmem:$0x180A0] =	vst v63  }
0x282: {  	s19 =	sadd.s32 $0x280, s1;
	s20 =	simm.s32 $0xB4A0  }
0x283: {  	[tilespmem:s20], [sflag:$0x1] =	stream.strided.gather [hbm4b:s19+s16], $0x200, s17, s16, $0x38;
	[tilespmem:$0x180A0] =	vst v63  }
0x284: {  	s19 =	sadd.s32 $0x300, s1;
	s20 =	simm.s32 $0xB8A0  }
0x285: {  	[tilespmem:s20], [sflag:$0x1] =	stream.strided.gather [hbm4b:s19+s16], $0x200, s17, s16, $0x38;
	[tilespmem:$0x180A0] =	vst v63  }
0x286: {  	s0 =	simm.s32 $0xC0A0;
	s1 =	sadd.s32 $0x380, s1;
	s20 =	simm.s32 $0xBCA0  }
0x287: {  	[tilespmem:s20], [sflag:$0x1] =	stream.strided.gather [hbm4b:s1+s16], $0x200, s17, s16, $0x38;
	[tilespmem:$0x180A0] =	vst v63  }
.LBB2_5:
0x288: {  	s11 =	sadd.s32 $0x10, s11  }
0x289: {  	p0 =	sne.s32 s11, $0x1F0  }
.Ltmp3:
0x28a: {  	_ = 	snop;
	(pc) =	sbr.rel @!p0 .LBB2_6-.Ltmp3, $2  }
0x28b: {  	_ =	sdelay $0x2  }
0x28c: {  	s2 =	sadd.s32 $0x1, s2;
	s7 =	sadd.s32 $0x1, s7;
	s12 =	sadd.s32 $0x100, s12  }
.LBB2_2:
0x28d: {  	s1 =	sand.u32 $0x1, s2  }
0x28e: {  	p0 =	seq.s32 s1, $0x1  }
.Ltmp4:
0x28f: {  	_ = 	snop;
	(pc) =	sbr.rel @p0 .LBB2_4-.Ltmp4, $2  }
0x290: {  	_ =	sdelay $0x2  }
0x291: {  	s1 =	sand.u32 $0x3F800, s12  }
0x292: {  	s0 =	simm.s32 $0x1  }
0x293: {  	_ =	swait.ge [sflag:s0], $0xA000  }
0x294: {  	[sflag:s0] =	ssyncset.done $0x0  }
0x295: {  	s18 =	sand.u32 $0x60, s11;
	[sflag:s0] =	ssyncadd.s32 $0xFFFF6000  }
0x296: {  	s1 =	sor.u32 s18, s1;
	s25 =	rddreg [dreg:$0x2]  }
0x297: {  	s19 =	simm.s32 $0xA0;
	s18 =	sadd.s32 s25, s1  }
0x298: {  	[hbm4b:s18+s16] =	stream.strided.scatter [tilespmem:s19], [sflag:$0x3], $0x400, s10, s16, $0x38;
	[tilespmem:$0x180A0] =	vst v63  }
0x299: {  	s20 =	simm.s32 $0x4A0;
	s0 =	sadd.s32 $0x80, s18  }
0x29a: {  	[hbm4b:s0+s16] =	stream.strided.scatter [tilespmem:s20], [sflag:$0x3], $0x400, s10, s16, $0x38;
	[tilespmem:$0x180A0] =	vst v63  }
0x29b: {  	s15 =	simm.s32 $0x8A0;
	s4 =	sadd.s32 $0x100, s18  }
0x29c: {  	[hbm4b:s4+s16] =	stream.strided.scatter [tilespmem:s15], [sflag:$0x3], $0x400, s10, s16, $0x38;
	[tilespmem:$0x180A0] =	vst v63  }
0x29d: {  	s25 =	sadd.s32 $0x180, s18;
	s0 =	simm.s32 $0xCA0  }
0x29e: {  	[hbm4b:s25+s16] =	stream.strided.scatter [tilespmem:s0], [sflag:$0x3], $0x400, s10, s16, $0x38;
	[tilespmem:$0x180A0] =	vst v63  }
0x29f: {  	s4 =	sadd.s32 $0x200, s18;
	s15 =	simm.s32 $0x10A0  }
0x2a0: {  	[hbm4b:s4+s16] =	stream.strided.scatter [tilespmem:s15], [sflag:$0x3], $0x400, s10, s16, $0x38;
	[tilespmem:$0x180A0] =	vst v63  }
0x2a1: {  	s25 =	sadd.s32 $0x280, s18;
	s0 =	simm.s32 $0x14A0  }
0x2a2: {  	[hbm4b:s25+s16] =	stream.strided.scatter [tilespmem:s0], [sflag:$0x3], $0x400, s10, s16, $0x38;
	[tilespmem:$0x180A0] =	vst v63  }
0x2a3: {  	s4 =	sadd.s32 $0x300, s18;
	s15 =	simm.s32 $0x18A0  }
0x2a4: {  	[hbm4b:s4+s16] =	stream.strided.scatter [tilespmem:s15], [sflag:$0x3], $0x400, s10, s16, $0x38;
	[tilespmem:$0x180A0] =	vst v63  }
0x2a5: {  	s25 =	sadd.s32 $0x380, s18;
	s0 =	simm.s32 $0x1CA0  }
0x2a6: {  	[hbm4b:s25+s16] =	stream.strided.scatter [tilespmem:s0], [sflag:$0x3], $0x400, s10, s16, $0x38;
	[tilespmem:$0x180A0] =	vst v63  }
0x2a7: {  	s19 =	sadd.s32 $0x200000, s18;
	s4 =	simm.s32 $0x40A0  }
0x2a8: {  	[hbm4b:s19+s16] =	stream.strided.scatter [tilespmem:s4], [sflag:$0x3], $0x400, s10, s16, $0x38;
	[tilespmem:$0x180A0] =	vst v63  }
0x2a9: {  	s15 =	sadd.s32 $0x80, s19;
	s25 =	simm.s32 $0x44A0  }
0x2aa: {  	[hbm4b:s15+s16] =	stream.strided.scatter [tilespmem:s25], [sflag:$0x3], $0x400, s10, s16, $0x38;
	[tilespmem:$0x180A0] =	vst v63  }
0x2ab: {  	s0 =	sadd.s32 $0x100, s19;
	s4 =	simm.s32 $0x48A0  }
0x2ac: {  	[hbm4b:s0+s16] =	stream.strided.scatter [tilespmem:s4], [sflag:$0x3], $0x400, s10, s16, $0x38;
	[tilespmem:$0x180A0] =	vst v63  }
0x2ad: {  	s15 =	sadd.s32 $0x180, s19;
	s25 =	simm.s32 $0x4CA0  }
0x2ae: {  	[hbm4b:s15+s16] =	stream.strided.scatter [tilespmem:s25], [sflag:$0x3], $0x400, s10, s16, $0x38;
	[tilespmem:$0x180A0] =	vst v63  }
0x2af: {  	s0 =	sadd.s32 $0x200, s19;
	s4 =	simm.s32 $0x50A0  }
0x2b0: {  	[hbm4b:s0+s16] =	stream.strided.scatter [tilespmem:s4], [sflag:$0x3], $0x400, s10, s16, $0x38;
	[tilespmem:$0x180A0] =	vst v63  }
0x2b1: {  	s15 =	sadd.s32 $0x280, s19;
	s25 =	simm.s32 $0x54A0  }
0x2b2: {  	[hbm4b:s15+s16] =	stream.strided.scatter [tilespmem:s25], [sflag:$0x3], $0x400, s10, s16, $0x38;
	[tilespmem:$0x180A0] =	vst v63  }
0x2b3: {  	s0 =	sadd.s32 $0x300, s19;
	s4 =	simm.s32 $0x58A0  }
0x2b4: {  	[hbm4b:s0+s16] =	stream.strided.scatter [tilespmem:s4], [sflag:$0x3], $0x400, s10, s16, $0x38;
	[tilespmem:$0x180A0] =	vst v63  }
0x2b5: {  	s19 =	sadd.s32 $0x380, s19;
	s15 =	simm.s32 $0x5CA0  }
0x2b6: {  	[hbm4b:s19+s16] =	stream.strided.scatter [tilespmem:s15], [sflag:$0x3], $0x400, s10, s16, $0x38;
	[tilespmem:$0x180A0] =	vst v63  }
0x2b7: {  	s18 =	sadd.s32 $0x400000, s18;
	s19 =	simm.s32 $0x80A0  }
0x2b8: {  	[hbm4b:s18+s16] =	stream.strided.scatter [tilespmem:s19], [sflag:$0x3], $0x200, s10, s16, $0x38;
	[tilespmem:$0x180A0] =	vst v63  }
0x2b9: {  	s20 =	sadd.s32 $0x80, s18;
	s25 =	simm.s32 $0x84A0  }
0x2ba: {  	[hbm4b:s20+s16] =	stream.strided.scatter [tilespmem:s25], [sflag:$0x3], $0x200, s10, s16, $0x38;
	[tilespmem:$0x180A0] =	vst v63  }
0x2bb: {  	s4 =	sadd.s32 $0x100, s18;
	s15 =	simm.s32 $0x88A0  }
0x2bc: {  	[hbm4b:s4+s16] =	stream.strided.scatter [tilespmem:s15], [sflag:$0x3], $0x200, s10, s16, $0x38;
	[tilespmem:$0x180A0] =	vst v63  }
0x2bd: {  	s20 =	sadd.s32 $0x180, s18;
	s25 =	simm.s32 $0x8CA0  }
0x2be: {  	[hbm4b:s20+s16] =	stream.strided.scatter [tilespmem:s25], [sflag:$0x3], $0x200, s10, s16, $0x38;
	[tilespmem:$0x180A0] =	vst v63  }
0x2bf: {  	s4 =	sadd.s32 $0x200, s18;
	s15 =	simm.s32 $0x90A0  }
0x2c0: {  	[hbm4b:s4+s16] =	stream.strided.scatter [tilespmem:s15], [sflag:$0x3], $0x200, s10, s16, $0x38;
	[tilespmem:$0x180A0] =	vst v63  }
0x2c1: {  	s20 =	sadd.s32 $0x280, s18;
	s25 =	simm.s32 $0x94A0  }
0x2c2: {  	[hbm4b:s20+s16] =	stream.strided.scatter [tilespmem:s25], [sflag:$0x3], $0x200, s10, s16, $0x38;
	[tilespmem:$0x180A0] =	vst v63  }
0x2c3: {  	s4 =	sadd.s32 $0x300, s18;
	s15 =	simm.s32 $0x98A0  }
0x2c4: {  	[hbm4b:s4+s16] =	stream.strided.scatter [tilespmem:s15], [sflag:$0x3], $0x200, s10, s16, $0x38;
	[tilespmem:$0x180A0] =	vst v63  }
0x2c5: {  	s19 =	simm.s32 $0x9CA0;
	s18 =	sadd.s32 $0x380, s18;
	s20 =	rddreg [dreg:$0xd]  }
0x2c6: {  	[hbm4b:s18+s16] =	stream.strided.scatter [tilespmem:s19], [sflag:$0x3], $0x200, s10, s16, $0x38;
	[tilespmem:$0x180A0] =	vst v63  }
0x2c7: {  	s25 =	simm.s32 $0x20A0;
	s1 =	sadd.s32 s1, s20  }
0x2c8: {  	[hbm4b:s1+s16] =	stream.strided.scatter [tilespmem:s25], [sflag:$0x3], $0x400, s10, s16, $0x38;
	[tilespmem:$0x180A0] =	vst v63  }
0x2c9: {  	s0 =	sadd.s32 $0x80, s1;
	s4 =	simm.s32 $0x24A0  }
0x2ca: {  	[hbm4b:s0+s16] =	stream.strided.scatter [tilespmem:s4], [sflag:$0x3], $0x400, s10, s16, $0x38;
	[tilespmem:$0x180A0] =	vst v63  }
0x2cb: {  	s15 =	sadd.s32 $0x100, s1;
	s19 =	simm.s32 $0x28A0  }
0x2cc: {  	[hbm4b:s15+s16] =	stream.strided.scatter [tilespmem:s19], [sflag:$0x3], $0x400, s10, s16, $0x38;
	[tilespmem:$0x180A0] =	vst v63  }
0x2cd: {  	s20 =	sadd.s32 $0x180, s1;
	s25 =	simm.s32 $0x2CA0  }
0x2ce: {  	[hbm4b:s20+s16] =	stream.strided.scatter [tilespmem:s25], [sflag:$0x3], $0x400, s10, s16, $0x38;
	[tilespmem:$0x180A0] =	vst v63  }
0x2cf: {  	s0 =	sadd.s32 $0x200, s1;
	s4 =	simm.s32 $0x30A0  }
0x2d0: {  	[hbm4b:s0+s16] =	stream.strided.scatter [tilespmem:s4], [sflag:$0x3], $0x400, s10, s16, $0x38;
	[tilespmem:$0x180A0] =	vst v63  }
0x2d1: {  	s15 =	sadd.s32 $0x280, s1;
	s19 =	simm.s32 $0x34A0  }
0x2d2: {  	[hbm4b:s15+s16] =	stream.strided.scatter [tilespmem:s19], [sflag:$0x3], $0x400, s10, s16, $0x38;
	[tilespmem:$0x180A0] =	vst v63  }
0x2d3: {  	s20 =	sadd.s32 $0x300, s1;
	s25 =	simm.s32 $0x38A0  }
0x2d4: {  	[hbm4b:s20+s16] =	stream.strided.scatter [tilespmem:s25], [sflag:$0x3], $0x400, s10, s16, $0x38;
	[tilespmem:$0x180A0] =	vst v63  }
0x2d5: {  	s4 =	sadd.s32 $0x380, s1;
	s15 =	simm.s32 $0x3CA0  }
0x2d6: {  	[hbm4b:s4+s16] =	stream.strided.scatter [tilespmem:s15], [sflag:$0x3], $0x400, s10, s16, $0x38;
	[tilespmem:$0x180A0] =	vst v63  }
0x2d7: {  	s18 =	sadd.s32 $0x200000, s1;
	s19 =	simm.s32 $0x60A0  }
0x2d8: {  	[hbm4b:s18+s16] =	stream.strided.scatter [tilespmem:s19], [sflag:$0x3], $0x400, s10, s16, $0x38;
	[tilespmem:$0x180A0] =	vst v63  }
0x2d9: {  	s20 =	sadd.s32 $0x80, s18;
	s25 =	simm.s32 $0x64A0  }
0x2da: {  	[hbm4b:s20+s16] =	stream.strided.scatter [tilespmem:s25], [sflag:$0x3], $0x400, s10, s16, $0x38;
	[tilespmem:$0x180A0] =	vst v63  }
0x2db: {  	s4 =	sadd.s32 $0x100, s18;
	s15 =	simm.s32 $0x68A0  }
0x2dc: {  	[hbm4b:s4+s16] =	stream.strided.scatter [tilespmem:s15], [sflag:$0x3], $0x400, s10, s16, $0x38;
	[tilespmem:$0x180A0] =	vst v63  }
0x2dd: {  	s20 =	sadd.s32 $0x180, s18;
	s25 =	simm.s32 $0x6CA0  }
0x2de: {  	[hbm4b:s20+s16] =	stream.strided.scatter [tilespmem:s25], [sflag:$0x3], $0x400, s10, s16, $0x38;
	[tilespmem:$0x180A0] =	vst v63  }
0x2df: {  	s4 =	sadd.s32 $0x200, s18;
	s15 =	simm.s32 $0x70A0  }
0x2e0: {  	[hbm4b:s4+s16] =	stream.strided.scatter [tilespmem:s15], [sflag:$0x3], $0x400, s10, s16, $0x38;
	[tilespmem:$0x180A0] =	vst v63  }
0x2e1: {  	s20 =	sadd.s32 $0x280, s18;
	s25 =	simm.s32 $0x74A0  }
0x2e2: {  	[hbm4b:s20+s16] =	stream.strided.scatter [tilespmem:s25], [sflag:$0x3], $0x400, s10, s16, $0x38;
	[tilespmem:$0x180A0] =	vst v63  }
0x2e3: {  	s4 =	sadd.s32 $0x300, s18;
	s15 =	simm.s32 $0x78A0  }
0x2e4: {  	[hbm4b:s4+s16] =	stream.strided.scatter [tilespmem:s15], [sflag:$0x3], $0x400, s10, s16, $0x38;
	[tilespmem:$0x180A0] =	vst v63  }
0x2e5: {  	s18 =	sadd.s32 $0x380, s18;
	s20 =	simm.s32 $0x7CA0  }
0x2e6: {  	[hbm4b:s18+s16] =	stream.strided.scatter [tilespmem:s20], [sflag:$0x3], $0x400, s10, s16, $0x38;
	[tilespmem:$0x180A0] =	vst v63  }
0x2e7: {  	s1 =	sadd.s32 $0x400000, s1;
	s25 =	simm.s32 $0xA0A0  }
0x2e8: {  	[hbm4b:s1+s16] =	stream.strided.scatter [tilespmem:s25], [sflag:$0x3], $0x200, s10, s16, $0x38;
	[tilespmem:$0x180A0] =	vst v63  }
0x2e9: {  	s4 =	sadd.s32 $0x80, s1;
	s15 =	simm.s32 $0xA4A0  }
0x2ea: {  	[hbm4b:s4+s16] =	stream.strided.scatter [tilespmem:s15], [sflag:$0x3], $0x200, s10, s16, $0x38;
	[tilespmem:$0x180A0] =	vst v63  }
0x2eb: {  	s20 =	sadd.s32 $0x100, s1;
	s25 =	simm.s32 $0xA8A0  }
0x2ec: {  	[hbm4b:s20+s16] =	stream.strided.scatter [tilespmem:s25], [sflag:$0x3], $0x200, s10, s16, $0x38;
	[tilespmem:$0x180A0] =	vst v63  }
0x2ed: {  	s4 =	sadd.s32 $0x180, s1;
	s15 =	simm.s32 $0xACA0  }
0x2ee: {  	[hbm4b:s4+s16] =	stream.strided.scatter [tilespmem:s15], [sflag:$0x3], $0x200, s10, s16, $0x38;
	[tilespmem:$0x180A0] =	vst v63  }
0x2ef: {  	s20 =	sadd.s32 $0x200, s1;
	s25 =	simm.s32 $0xB0A0  }
0x2f0: {  	[hbm4b:s20+s16] =	stream.strided.scatter [tilespmem:s25], [sflag:$0x3], $0x200, s10, s16, $0x38;
	[tilespmem:$0x180A0] =	vst v63  }
0x2f1: {  	s4 =	sadd.s32 $0x280, s1;
	s15 =	simm.s32 $0xB4A0  }
0x2f2: {  	[hbm4b:s4+s16] =	stream.strided.scatter [tilespmem:s15], [sflag:$0x3], $0x200, s10, s16, $0x38;
	[tilespmem:$0x180A0] =	vst v63  }
0x2f3: {  	s19 =	sadd.s32 $0x300, s1;
	s20 =	simm.s32 $0xB8A0  }
0x2f4: {  	[hbm4b:s19+s16] =	stream.strided.scatter [tilespmem:s20], [sflag:$0x3], $0x200, s10, s16, $0x38;
	[tilespmem:$0x180A0] =	vst v63  }
0x2f5: {  	s1 =	sadd.s32 $0x380, s1;
	s25 =	simm.s32 $0xBCA0;
	s4 =	simm.s32 $0x4  }
0x2f6: {  	[hbm4b:s1+s16] =	stream.strided.scatter [tilespmem:s25], [sflag:$0x3], $0x200, s10, s16, $0x38;
	[tilespmem:$0x180A0] =	vst v63  }
0x2f7: {  	_ =	swait.ge [sflag:s4], $0xA000  }
0x2f8: {  	[sflag:s4] =	ssyncset.done $0x0  }
0x2f9: {  	[sflag:s4] =	ssyncadd.s32 $0xFFFF6000  }
0x2fa: {  	s1 =	sld [smem:s7+$0x0];
	_ =	sdelay $0x2  }
0x2fb: {  	s15 =	sshll.u32 s1, $0xB;
	s1 =	sshll.u32 s1, $0x7  }
0x2fc: {  	s18 =	sand.u32 $0xFFFFC000, s15;
	s1 =	sand.u32 $0x380, s1  }
0x2fd: {  	s1 =	sor.u32 s1, s18  }
0x2fe: {  	s19 =	rddreg [dreg:$0x1];
	s1 =	sshrl.u32 s1, $0x3  }
0x2ff: {  	s0 =	simm.s32 $0xC0A0;
	s18 =	sadd.s32 s19, s1  }
0x300: {  	[tilespmem:s0], [sflag:$0x2] =	stream.strided.gather [hbm4b:s18+s16], $0x400, s17, s16, $0x38;
	[tilespmem:$0x180A0] =	vst v63  }
0x301: {  	s25 =	simm.s32 $0xC4A0;
	s20 =	sadd.s32 $0x80, s18  }
0x302: {  	[tilespmem:s25], [sflag:$0x2] =	stream.strided.gather [hbm4b:s20+s16], $0x400, s17, s16, $0x38;
	[tilespmem:$0x180A0] =	vst v63  }
0x303: {  	s15 =	simm.s32 $0xC8A0;
	s4 =	sadd.s32 $0x100, s18  }
0x304: {  	[tilespmem:s15], [sflag:$0x2] =	stream.strided.gather [hbm4b:s4+s16], $0x400, s17, s16, $0x38;
	[tilespmem:$0x180A0] =	vst v63  }
0x305: {  	s20 =	sadd.s32 $0x180, s18;
	s25 =	simm.s32 $0xCCA0  }
0x306: {  	[tilespmem:s25], [sflag:$0x2] =	stream.strided.gather [hbm4b:s20+s16], $0x400, s17, s16, $0x38;
	[tilespmem:$0x180A0] =	vst v63  }
0x307: {  	s4 =	sadd.s32 $0x200, s18;
	s15 =	simm.s32 $0xD0A0  }
0x308: {  	[tilespmem:s15], [sflag:$0x2] =	stream.strided.gather [hbm4b:s4+s16], $0x400, s17, s16, $0x38;
	[tilespmem:$0x180A0] =	vst v63  }
0x309: {  	s20 =	sadd.s32 $0x280, s18;
	s25 =	simm.s32 $0xD4A0  }
0x30a: {  	[tilespmem:s25], [sflag:$0x2] =	stream.strided.gather [hbm4b:s20+s16], $0x400, s17, s16, $0x38;
	[tilespmem:$0x180A0] =	vst v63  }
0x30b: {  	s4 =	sadd.s32 $0x300, s18;
	s15 =	simm.s32 $0xD8A0  }
0x30c: {  	[tilespmem:s15], [sflag:$0x2] =	stream.strided.gather [hbm4b:s4+s16], $0x400, s17, s16, $0x38;
	[tilespmem:$0x180A0] =	vst v63  }
0x30d: {  	s25 =	sadd.s32 $0x380, s18;
	s4 =	simm.s32 $0xDCA0  }
0x30e: {  	[tilespmem:s4], [sflag:$0x2] =	stream.strided.gather [hbm4b:s25+s16], $0x400, s17, s16, $0x38;
	[tilespmem:$0x180A0] =	vst v63  }
0x30f: {  	s19 =	sadd.s32 $0x1F4000, s18;
	s15 =	simm.s32 $0x100A0  }
0x310: {  	[tilespmem:s15], [sflag:$0x2] =	stream.strided.gather [hbm4b:s19+s16], $0x400, s17, s16, $0x38;
	[tilespmem:$0x180A0] =	vst v63  }
0x311: {  	s25 =	sadd.s32 $0x80, s19;
	s4 =	simm.s32 $0x104A0  }
0x312: {  	[tilespmem:s4], [sflag:$0x2] =	stream.strided.gather [hbm4b:s25+s16], $0x400, s17, s16, $0x38;
	[tilespmem:$0x180A0] =	vst v63  }
0x313: {  	s15 =	simm.s32 $0x108A0;
	s4 =	sadd.s32 $0x100, s19  }
0x314: {  	[tilespmem:s15], [sflag:$0x2] =	stream.strided.gather [hbm4b:s4+s16], $0x400, s17, s16, $0x38;
	[tilespmem:$0x180A0] =	vst v63  }
0x315: {  	s25 =	sadd.s32 $0x180, s19;
	s15 =	simm.s32 $0x10CA0  }
0x316: {  	[tilespmem:s15], [sflag:$0x2] =	stream.strided.gather [hbm4b:s25+s16], $0x400, s17, s16, $0x38;
	[tilespmem:$0x180A0] =	vst v63  }
0x317: {  	s15 =	sadd.s32 $0x200, s19;
	s25 =	simm.s32 $0x110A0  }
0x318: {  	[tilespmem:s25], [sflag:$0x2] =	stream.strided.gather [hbm4b:s15+s16], $0x400, s17, s16, $0x38;
	[tilespmem:$0x180A0] =	vst v63  }
0x319: {  	s20 =	sadd.s32 $0x280, s19;
	s25 =	simm.s32 $0x114A0  }
0x31a: {  	[tilespmem:s25], [sflag:$0x2] =	stream.strided.gather [hbm4b:s20+s16], $0x400, s17, s16, $0x38;
	[tilespmem:$0x180A0] =	vst v63  }
0x31b: {  	s20 =	sadd.s32 $0x300, s19;
	s25 =	simm.s32 $0x118A0  }
0x31c: {  	[tilespmem:s25], [sflag:$0x2] =	stream.strided.gather [hbm4b:s20+s16], $0x400, s17, s16, $0x38;
	[tilespmem:$0x180A0] =	vst v63  }
0x31d: {  	s19 =	sadd.s32 $0x380, s19;
	s20 =	simm.s32 $0x11CA0  }
0x31e: {  	[tilespmem:s20], [sflag:$0x2] =	stream.strided.gather [hbm4b:s19+s16], $0x400, s17, s16, $0x38;
	[tilespmem:$0x180A0] =	vst v63  }
0x31f: {  	s18 =	sadd.s32 $0x3E8000, s18;
	s20 =	simm.s32 $0x140A0  }
0x320: {  	[tilespmem:s20], [sflag:$0x2] =	stream.strided.gather [hbm4b:s18+s16], $0x200, s17, s16, $0x38;
	[tilespmem:$0x180A0] =	vst v63  }
0x321: {  	s19 =	sadd.s32 $0x80, s18;
	s20 =	simm.s32 $0x144A0  }
0x322: {  	[tilespmem:s20], [sflag:$0x2] =	stream.strided.gather [hbm4b:s19+s16], $0x200, s17, s16, $0x38;
	[tilespmem:$0x180A0] =	vst v63  }
0x323: {  	s19 =	sadd.s32 $0x100, s18;
	s20 =	simm.s32 $0x148A0  }
0x324: {  	[tilespmem:s20], [sflag:$0x2] =	stream.strided.gather [hbm4b:s19+s16], $0x200, s17, s16, $0x38;
	[tilespmem:$0x180A0] =	vst v63  }
0x325: {  	s19 =	sadd.s32 $0x180, s18;
	s20 =	simm.s32 $0x14CA0  }
0x326: {  	[tilespmem:s20], [sflag:$0x2] =	stream.strided.gather [hbm4b:s19+s16], $0x200, s17, s16, $0x38;
	[tilespmem:$0x180A0] =	vst v63  }
0x327: {  	s19 =	sadd.s32 $0x200, s18;
	s20 =	simm.s32 $0x150A0  }
0x328: {  	[tilespmem:s20], [sflag:$0x2] =	stream.strided.gather [hbm4b:s19+s16], $0x200, s17, s16, $0x38;
	[tilespmem:$0x180A0] =	vst v63  }
0x329: {  	s19 =	sadd.s32 $0x280, s18;
	s20 =	simm.s32 $0x154A0  }
0x32a: {  	[tilespmem:s20], [sflag:$0x2] =	stream.strided.gather [hbm4b:s19+s16], $0x200, s17, s16, $0x38;
	[tilespmem:$0x180A0] =	vst v63  }
0x32b: {  	s19 =	sadd.s32 $0x300, s18;
	s20 =	simm.s32 $0x158A0  }
0x32c: {  	[tilespmem:s20], [sflag:$0x2] =	stream.strided.gather [hbm4b:s19+s16], $0x200, s17, s16, $0x38;
	[tilespmem:$0x180A0] =	vst v63  }
0x32d: {  	s18 =	sadd.s32 $0x380, s18;
	s20 =	simm.s32 $0x15CA0  }
0x32e: {  	[tilespmem:s20], [sflag:$0x2] =	stream.strided.gather [hbm4b:s18+s16], $0x200, s17, s16, $0x38;
	[tilespmem:$0x180A0] =	vst v63  }
0x32f: {  	s1 =	sadd.s32 s1, s9;
	s20 =	simm.s32 $0xE0A0  }
0x330: {  	[tilespmem:s20], [sflag:$0x2] =	stream.strided.gather [hbm4b:s1+s16], $0x400, s17, s16, $0x38;
	[tilespmem:$0x180A0] =	vst v63  }
0x331: {  	s19 =	sadd.s32 $0x80, s1;
	s20 =	simm.s32 $0xE4A0  }
0x332: {  	[tilespmem:s20], [sflag:$0x2] =	stream.strided.gather [hbm4b:s19+s16], $0x400, s17, s16, $0x38;
	[tilespmem:$0x180A0] =	vst v63  }
0x333: {  	s19 =	sadd.s32 $0x100, s1;
	s20 =	simm.s32 $0xE8A0  }
0x334: {  	[tilespmem:s20], [sflag:$0x2] =	stream.strided.gather [hbm4b:s19+s16], $0x400, s17, s16, $0x38;
	[tilespmem:$0x180A0] =	vst v63  }
0x335: {  	s4 =	simm.s32 $0xECA0;
	s20 =	sadd.s32 $0x180, s1  }
0x336: {  	[tilespmem:s4], [sflag:$0x2] =	stream.strided.gather [hbm4b:s20+s16], $0x400, s17, s16, $0x38;
	[tilespmem:$0x180A0] =	vst v63  }
0x337: {  	s19 =	sadd.s32 $0x200, s1;
	s20 =	simm.s32 $0xF0A0  }
0x338: {  	[tilespmem:s20], [sflag:$0x2] =	stream.strided.gather [hbm4b:s19+s16], $0x400, s17, s16, $0x38;
	[tilespmem:$0x180A0] =	vst v63  }
0x339: {  	s15 =	simm.s32 $0xF4A0;
	s20 =	sadd.s32 $0x280, s1  }
0x33a: {  	[tilespmem:s15], [sflag:$0x2] =	stream.strided.gather [hbm4b:s20+s16], $0x400, s17, s16, $0x38;
	[tilespmem:$0x180A0] =	vst v63  }
0x33b: {  	s19 =	sadd.s32 $0x300, s1;
	s20 =	simm.s32 $0xF8A0  }
0x33c: {  	[tilespmem:s20], [sflag:$0x2] =	stream.strided.gather [hbm4b:s19+s16], $0x400, s17, s16, $0x38;
	[tilespmem:$0x180A0] =	vst v63  }
0x33d: {  	s25 =	simm.s32 $0xFCA0;
	s19 =	sadd.s32 $0x380, s1  }
0x33e: {  	[tilespmem:s25], [sflag:$0x2] =	stream.strided.gather [hbm4b:s19+s16], $0x400, s17, s16, $0x38;
	[tilespmem:$0x180A0] =	vst v63  }
0x33f: {  	s18 =	sadd.s32 $0x1F4000, s1;
	s20 =	simm.s32 $0x120A0  }
0x340: {  	[tilespmem:s20], [sflag:$0x2] =	stream.strided.gather [hbm4b:s18+s16], $0x400, s17, s16, $0x38;
	[tilespmem:$0x180A0] =	vst v63  }
0x341: {  	s20 =	sadd.s32 $0x80, s18  }
0x342: {  	[tilespmem:s28], [sflag:$0x2] =	stream.strided.gather [hbm4b:s20+s16], $0x400, s17, s16, $0x38;
	[tilespmem:$0x180A0] =	vst v63  }
0x343: {  	s20 =	sadd.s32 $0x100, s18  }
0x344: {  	[tilespmem:s29], [sflag:$0x2] =	stream.strided.gather [hbm4b:s20+s16], $0x400, s17, s16, $0x38;
	[tilespmem:$0x180A0] =	vst v63  }
0x345: {  	s20 =	sadd.s32 $0x180, s18  }
0x346: {  	[tilespmem:s30], [sflag:$0x2] =	stream.strided.gather [hbm4b:s20+s16], $0x400, s17, s16, $0x38;
	[tilespmem:$0x180A0] =	vst v63  }
0x347: {  	s20 =	sadd.s32 $0x200, s18  }
0x348: {  	[tilespmem:s31], [sflag:$0x2] =	stream.strided.gather [hbm4b:s20+s16], $0x400, s17, s16, $0x38;
	[tilespmem:$0x180A0] =	vst v63  }
0x349: {  	s20 =	sadd.s32 $0x280, s18  }
0x34a: {  	[tilespmem:s3], [sflag:$0x2] =	stream.strided.gather [hbm4b:s20+s16], $0x400, s17, s16, $0x38;
	[tilespmem:$0x180A0] =	vst v63  }
0x34b: {  	s20 =	sadd.s32 $0x300, s18  }
0x34c: {  	[tilespmem:s5], [sflag:$0x2] =	stream.strided.gather [hbm4b:s20+s16], $0x400, s17, s16, $0x38;
	[tilespmem:$0x180A0] =	vst v63  }
0x34d: {  	s18 =	sadd.s32 $0x380, s18  }
0x34e: {  	[tilespmem:s8], [sflag:$0x2] =	stream.strided.gather [hbm4b:s18+s16], $0x400, s17, s16, $0x38;
	[tilespmem:$0x180A0] =	vst v63  }
0x34f: {  	s1 =	sadd.s32 $0x3E8000, s1  }
0x350: {  	[tilespmem:s21], [sflag:$0x2] =	stream.strided.gather [hbm4b:s1+s16], $0x200, s17, s16, $0x38;
	[tilespmem:$0x180A0] =	vst v63  }
0x351: {  	s19 =	sadd.s32 $0x80, s1  }
0x352: {  	[tilespmem:s22], [sflag:$0x2] =	stream.strided.gather [hbm4b:s19+s16], $0x200, s17, s16, $0x38;
	[tilespmem:$0x180A0] =	vst v63  }
0x353: {  	s20 =	sadd.s32 $0x100, s1  }
0x354: {  	[tilespmem:s13], [sflag:$0x2] =	stream.strided.gather [hbm4b:s20+s16], $0x200, s17, s16, $0x38;
	[tilespmem:$0x180A0] =	vst v63  }
0x355: {  	s19 =	sadd.s32 $0x180, s1  }
0x356: {  	[tilespmem:s14], [sflag:$0x2] =	stream.strided.gather [hbm4b:s19+s16], $0x200, s17, s16, $0x38;
	[tilespmem:$0x180A0] =	vst v63  }
0x357: {  	s20 =	sadd.s32 $0x200, s1  }
0x358: {  	[tilespmem:s23], [sflag:$0x2] =	stream.strided.gather [hbm4b:s20+s16], $0x200, s17, s16, $0x38;
	[tilespmem:$0x180A0] =	vst v63  }
0x359: {  	s19 =	sadd.s32 $0x280, s1  }
0x35a: {  	[tilespmem:s6], [sflag:$0x2] =	stream.strided.gather [hbm4b:s19+s16], $0x200, s17, s16, $0x38;
	[tilespmem:$0x180A0] =	vst v63  }
.Ltmp5:
0x35b: {  	_ = 	snop;
	(pc) =	sbr.rel .LBB2_5-.Ltmp5, $4  }
0x35c: {  	s20 =	sadd.s32 $0x300, s1  }
0x35d: {  	[tilespmem:s24], [sflag:$0x2] =	stream.strided.gather [hbm4b:s20+s16], $0x200, s17, s16, $0x38;
	[tilespmem:$0x180A0] =	vst v63  }
0x35e: {  	s1 =	sadd.s32 $0x380, s1  }
0x35f: {  	[tilespmem:s26], [sflag:$0x2] =	stream.strided.gather [hbm4b:s1+s16], $0x200, s17, s16, $0x38;
	[tilespmem:$0x180A0] =	vst v63  }
.LBB2_7:
0x360: {  	_ =	sfence.sel $0x180000  }
0x361: {  	[bflag:$0x0] =	sbarrier.arrive $0xFFFF  }
0x362: {  	_ =	strace $0x90000047  }
0x363: {  	s0 =	stileid.u32;
	[bflag:$0x2] =	sbarrier.arrive $0xFFFF  }
0x364: {  	p0 =	sne.s32 s0, $0x0;
	s0 =	rddreg [dreg:$0x4]  }
0x365: {  	s0 =	sadd.s32 @!p0 $0x100000, s0  }
0x366: {  	[sflag:s0] =	ssyncadd.tile.s32 @!p0 $0x1;
	_ =	shalt  }
.Lfunc_end2:
_tile_overlayer_lowered:
.L_overlay_start_2:
0x367: {  	(tag) =	ssettag $0x2  }
0x368: {  	s0 =	rddreg [dreg:$0x0];
	s2 =	stileid.u32  }
0x369: {  	s1 =	rddreg [dreg:$0x1];
	p0 =	sne.s32 s2, $0x0  }
0x36a: {  	s3 =	rddreg [dreg:$0x2];
	[bflag:$0x3] =	sbarrier.arrive $0xFFFF;
	s2 =	simm.s32 @!p0 $0x1C05  }
0x36b: {  	[timem:s3], [sflag:s2] =	dma.local @!p0 [hbm:s0], s1  }
0x36c: {  	s0 =	simm.s32 @!p0 $0x5  }
0x36d: {  	_ =	swait.ge @!p0 [sflag:s0], s1  }
0x36e: {  	s1 =	ssub.s32 @!p0 $0x0, s1;
	[sflag:s0] =	ssyncset.done @!p0 $0x0  }
0x36f: {  	[sflag:s0] =	ssyncadd.s32 @!p0 s1  }
0x370: {  	[bflag:$0x3] =	sbarrier.arrive $0xFFFF  }
0x371: {  	_ =	shalt  }

</sc_bundles>
